<compile_context>
chip_gen: v7x
topology: tpu7x:2x2x1
jax: 0.10.2.dev20260603
libtpu: 0.0.44.dev20260713+nightly
codegen_flags: <defaults>
</compile_context>

<pallas_src>
import functools

import jax
import jax.numpy as jnp
from jax import lax
from jax.experimental import pallas as pl
from jax.experimental.pallas import tpu as pltpu
from jax.experimental.pallas import tpu_sc as plsc

_VOCAB = 1000000
_D = 64
_HID = 64
_NIDX = 16384

_NC = 2
_NS = 16
_NW = _NC * _NS
_LANES = 16

_HR = 31232
_HR_LAST = _VOCAB - (_NW - 1) * _HR

_TILE_V = 32768
_NT = (_VOCAB + _TILE_V - 1) // _TILE_V

_TILE_F = 65536
_NF = (_VOCAB + _TILE_F - 1) // _TILE_F


_SC0_LEN = _NS * _HR
_SCAT_K = 16
_SCAT_N = _NIDX // _SCAT_K
_BIN = 500288
_ZCHUNK = 31408
_SC_HIST = _NS * _ZCHUNK


def _sc_hist(idx_hbm, out_hbm, idx_v, *rest):
    locs = rest[:_SCAT_K]
    val_v, buf_v, hist_sh, sem = rest[_SCAT_K:]
    c = lax.axis_index("c")
    s = lax.axis_index("s")
    rid = c * _NS + s
    base = rid * _HR
    sc_base = c * _SC0_LEN
    is_last = (rid == _NW - 1).astype(jnp.int32)
    mylen = _HR + is_last * (_HR_LAST - _HR)

    zeros = jnp.zeros((_LANES,), jnp.float32)
    ones = jnp.ones((_LANES,), jnp.float32)

    def zfill(j, carry):
        buf_v[pl.ds(j * _LANES, _LANES)] = zeros
        return carry

    lax.fori_loop(0, _ZCHUNK // _LANES, zfill, 0)

    pltpu.sync_copy(idx_hbm, idx_v)

    lane16 = lax.iota(jnp.int32, _LANES)
    for k in range(_SCAT_K):
        def body(j, carry, _k=k):
            chunk = idx_v[pl.ds(_k * _SCAT_N + j * _LANES, _LANES)]
            local = chunk - sc_base
            mask = (chunk >= base) & (chunk < base + mylen)
            spread = _BIN + (j % (_SCAT_N // _LANES)) * _LANES + lane16
            locs[_k][pl.ds(j * _LANES, _LANES)] = jnp.where(mask, local,
                                                            spread)
            val_v[pl.ds(_k * _SCAT_N + j * _LANES, _LANES)] = jnp.where(
                mask, ones, zeros)
            return carry

        lax.fori_loop(0, _SCAT_N // _LANES, body, 0)

    pltpu.sync_copy(buf_v.at[pl.ds(0, _ZCHUNK)],
                    hist_sh.at[pl.ds(s * _ZCHUNK, _ZCHUNK)])
    plsc.subcore_barrier()

    for k in range(_SCAT_K):
        pltpu.sync_copy(val_v.at[pl.ds(k * _SCAT_N, _SCAT_N)],
                        hist_sh.at[locs[k]], add=True)
    plsc.subcore_barrier()

    off = base - sc_base

    @pl.when(rid < _NW - 1)
    def _():
        pltpu.sync_copy(hist_sh.at[pl.ds(off, _HR)], buf_v.at[pl.ds(0, _HR)])
        pltpu.sync_copy(buf_v.at[pl.ds(0, _HR)], out_hbm.at[pl.ds(base, _HR)])

    @pl.when(rid == _NW - 1)
    def _():
        pltpu.sync_copy(hist_sh.at[pl.ds(off, _HR_LAST)],
                        buf_v.at[pl.ds(0, _HR_LAST)])
        pltpu.sync_copy(buf_v.at[pl.ds(0, _HR_LAST)],
                        out_hbm.at[pl.ds((_NW - 1) * _HR, _HR_LAST)])


def _hist(idx):
    fn = functools.partial(
        pl.kernel,
        mesh=plsc.VectorSubcoreMesh(core_axis_name="c", subcore_axis_name="s"),
        out_type=jax.ShapeDtypeStruct((_VOCAB,), jnp.float32),
        scratch_types=[
            pltpu.VMEM((_NIDX,), jnp.int32),
            *[pltpu.VMEM((_SCAT_N,), jnp.int32) for _ in range(_SCAT_K)],
            pltpu.VMEM((_NIDX,), jnp.float32),
            pltpu.VMEM((_HR_LAST,), jnp.float32),
            pltpu.VMEM_SHARED((_SC_HIST,), jnp.float32),
            pltpu.SemaphoreType.DMA,
        ],
    )(_sc_hist)
    return fn(idx)


def _mv_body(embt_ref, counts_ref, out_ref, acc_ref):
    i = pl.program_id(0)

    @pl.when(i == 0)
    def _():
        acc_ref[...] = jnp.zeros((1, _D), jnp.float32)

    valid = _VOCAB - i * _TILE_V
    lane = lax.broadcasted_iota(jnp.int32, (1, _TILE_V), 1)
    c = jnp.where(lane < valid, counts_ref[...].reshape(1, _TILE_V), 0.0)
    acc_ref[...] += lax.dot_general(c, embt_ref[...],
                                    (((1,), (1,)), ((), ())),
                                    preferred_element_type=jnp.float32)

    @pl.when(i == _NT - 1)
    def _():
        out_ref[...] = acc_ref[...]


def _tc_matvec(embt, counts):
    return pl.pallas_call(
        _mv_body,
        grid=(_NT,),
        in_specs=[
            pl.BlockSpec((_D, _TILE_V), lambda i: (0, i)),
            pl.BlockSpec((_TILE_V,), lambda i: (i,)),
        ],
        out_specs=pl.BlockSpec((1, _D), lambda i: (0, 0)),
        out_shape=jax.ShapeDtypeStruct((1, _D), jnp.float32),
        scratch_shapes=[pltpu.VMEM((1, _D), jnp.float32)],
        compiler_params=pltpu.CompilerParams(
            dimension_semantics=("arbitrary",)),
    )(embt, counts)


def _tc_body(v_ref, w1_ref, b1_ref, w2_ref, b2_ref, out_ref, lse_ref,
             stats_ref):
    i = pl.program_id(0)

    @pl.when(i == 0)
    def _():
        stats_ref[0] = -jnp.inf
        stats_ref[1] = 0.0

    h = lax.dot_general(v_ref[...], w1_ref[...], (((1,), (1,)), ((), ())),
                        preferred_element_type=jnp.float32)
    h = jnp.maximum(h + b1_ref[...], 0.0)
    logits = lax.dot_general(h, w2_ref[...], (((1,), (0,)), ((), ())),
                             preferred_element_type=jnp.float32)
    logits = logits + b2_ref[...]
    out_ref[...] = logits

    valid = _VOCAB - i * _TILE_V
    lane = lax.broadcasted_iota(jnp.int32, (1, _TILE_V), 1)
    logits_m = jnp.where(lane < valid, logits, -jnp.inf)

    m_old = stats_ref[0]
    m_new = jnp.maximum(m_old, jnp.max(logits_m))
    stats_ref[1] = (stats_ref[1] * jnp.exp(m_old - m_new)
                    + jnp.sum(jnp.exp(logits_m - m_new)))
    stats_ref[0] = m_new

    @pl.when(i == _NT - 1)
    def _():
        lse_ref[...] = jnp.full((1, 128), stats_ref[0] + jnp.log(stats_ref[1]),
                                jnp.float32)


def _tc_logits_lse(v, w1, b1, w2t, b2):
    return pl.pallas_call(
        _tc_body,
        grid=(_NT,),
        in_specs=[
            pl.BlockSpec((1, _D), lambda i: (0, 0)),
            pl.BlockSpec((_HID, _D), lambda i: (0, 0)),
            pl.BlockSpec((1, _HID), lambda i: (0, 0)),
            pl.BlockSpec((_HID, _TILE_V), lambda i: (0, i)),
            pl.BlockSpec((1, _TILE_V), lambda i: (0, i)),
        ],
        out_specs=[
            pl.BlockSpec((1, _TILE_V), lambda i: (0, i)),
            pl.BlockSpec((1, 128), lambda i: (0, 0)),
        ],
        out_shape=[
            jax.ShapeDtypeStruct((1, _VOCAB), jnp.float32),
            jax.ShapeDtypeStruct((1, 128), jnp.float32),
        ],
        scratch_shapes=[pltpu.SMEM((2,), jnp.float32)],
        compiler_params=pltpu.CompilerParams(
            dimension_semantics=("arbitrary",)),
    )(v, w1, b1, w2t, b2)


def _sub_body(logits_ref, lse_ref, out_ref):
    out_ref[...] = logits_ref[...] - lse_ref[0, 0]


def _tc_subtract(logits, lse):
    return pl.pallas_call(
        _sub_body,
        grid=(_NF,),
        in_specs=[
            pl.BlockSpec((1, _TILE_F), lambda i: (0, i)),
            pl.BlockSpec((1, 128), lambda i: (0, 0)),
        ],
        out_specs=pl.BlockSpec((1, _TILE_F), lambda i: (0, i)),
        out_shape=jax.ShapeDtypeStruct((1, _VOCAB), jnp.float32),
        compiler_params=pltpu.CompilerParams(
            dimension_semantics=("arbitrary",)),
    )(logits, lse)


def kernel(inputs, embeddings, W1, b1, W2, b2):
    counts = _hist(inputs)
    v = _tc_matvec(jnp.swapaxes(embeddings, 0, 1), counts)
    logits, lse = _tc_logits_lse(v, W1, b1.reshape(1, _HID),
                                 jnp.swapaxes(W2, 0, 1),
                                 b2.reshape(1, _VOCAB))
    return _tc_subtract(logits, lse)

# --- scband reference (transcript-rebuilt; emitter-appended) ---
"""Pipeline reference for scband-cbow-8813272891538 (READ-ONLY COPY).

The authoritative reference and input builder live on the scoring server;
editing this copy changes nothing except your own understanding.
"""

import jax, jax.numpy as jnp
import numpy as np

VOCAB = 1000000
EMBED_DIM = 64
HIDDEN = 64
N_IDX = 16384

def setup_inputs(seed: int = 0) -> dict:
    key = jax.random.key(seed)
    k_idx, k_emb, k_w1, k_b1, k_w2, k_b2 = jax.random.split(key, 6)
    inputs = jax.random.randint(k_idx, (N_IDX,), 0, VOCAB, dtype=jnp.int64 if jax.config.jax_enable_x64 else jnp.int32)
    embeddings = jax.random.normal(k_emb, (VOCAB, EMBED_DIM), dtype=jnp.float32)
    W1 = jax.random.normal(k_w1, (HIDDEN, EMBED_DIM), dtype=jnp.float32) * (1.0 / np.sqrt(EMBED_DIM))
    b1 = jax.random.normal(k_b1, (HIDDEN,), dtype=jnp.float32) * 0.01
    W2 = jax.random.normal(k_w2, (VOCAB, HIDDEN), dtype=jnp.float32) * (1.0 / np.sqrt(HIDDEN))
    b2 = jax.random.normal(k_b2, (VOCAB,), dtype=jnp.float32) * 0.01
    return {"inputs": inputs, "embeddings": embeddings, "W1": W1, "b1": b1, "W2": W2, "b2": b2}

def reference(inputs, embeddings, W1, b1, W2, b2):
    # gather: embedding lookup
    emb = jnp.take(embeddings, inputs, axis=0)            # [N_IDX, D]
    # sum(...) over the leading axis, view(1, -1)
    embeded_vector = jnp.sum(emb, axis=0).reshape(1, -1)   # [1, D]
    # layer1 + ReLU
    h = jnp.maximum(embeded_vector @ W1.T + b1, 0.0)       # [1, HIDDEN]
    # layer2 + LogSoftmax(dim=-1)
    logits = h @ W2.T + b2                                 # [1, VOCAB]
    out = jax.nn.log_softmax(logits, axis=-1)
    return out

if __name__ == "__main__":
    import jax
    _d = setup_inputs()
    print(jax.jit(kernel)(*tuple(_d.values())))

</pallas_src>

<mosaic_0001>
#map = affine_map<(d0, d1) -> (0)>
module attributes {stable_mosaic.version = 14 : i64} {
  func.func @_sc_hist(%arg0: i32, %arg1: i32, %arg2: memref<16384xi32, #tpu.memory_space<hbm>>, %arg3: memref<1000000xf32, #tpu.memory_space<hbm>>, %arg4: memref<16384xi32, #tpu.memory_space<vmem>>, %arg5: memref<1024xi32, #tpu.memory_space<vmem>>, %arg6: memref<1024xi32, #tpu.memory_space<vmem>>, %arg7: memref<1024xi32, #tpu.memory_space<vmem>>, %arg8: memref<1024xi32, #tpu.memory_space<vmem>>, %arg9: memref<1024xi32, #tpu.memory_space<vmem>>, %arg10: memref<1024xi32, #tpu.memory_space<vmem>>, %arg11: memref<1024xi32, #tpu.memory_space<vmem>>, %arg12: memref<1024xi32, #tpu.memory_space<vmem>>, %arg13: memref<1024xi32, #tpu.memory_space<vmem>>, %arg14: memref<1024xi32, #tpu.memory_space<vmem>>, %arg15: memref<1024xi32, #tpu.memory_space<vmem>>, %arg16: memref<1024xi32, #tpu.memory_space<vmem>>, %arg17: memref<1024xi32, #tpu.memory_space<vmem>>, %arg18: memref<1024xi32, #tpu.memory_space<vmem>>, %arg19: memref<1024xi32, #tpu.memory_space<vmem>>, %arg20: memref<1024xi32, #tpu.memory_space<vmem>>, %arg21: memref<16384xf32, #tpu.memory_space<vmem>>, %arg22: memref<31808xf32, #tpu.memory_space<vmem>>, %arg23: memref<502528xf32, #tpu.memory_space<vmem_shared>>, %arg24: memref<!tpu.dma_semaphore, #tpu.memory_space<semaphore_mem>>) attributes {dimension_semantics = [#tpu.dimension_semantics<core_parallel>, #tpu.dimension_semantics<subcore_parallel>], iteration_bounds = array<i64: 2, 16>, scalar_prefetch = 0 : i64, scratch_operands = 21 : i64, tpu.core_type = #tpu.core_type<sc_vector_subcore>, window_params = [{transform_indices = #map}, {transform_indices = #map}]} {
    %mul3A = arith.constant 16 : i32
    %mul3A_0 = arith.muli %arg0, %mul3A : i32
    %add3A = arith.addi %mul3A_0, %arg1 : i32
    %mul3A_1 = arith.constant 31232 : i32
    %mul3A_2 = arith.muli %add3A, %mul3A_1 : i32
    %mul3A_3 = arith.constant 499712 : i32
    %mul3A_4 = arith.muli %arg0, %mul3A_3 : i32
    %eq3A = arith.constant 31 : i32
    %eq3A_5 = arith.cmpi eq, %add3A, %eq3A : i32
    %convert_element_type3A = arith.extui %eq3A_5 : i1 to i32
    %mul3A_6 = arith.constant 576 : i32
    %mul3A_7 = arith.muli %convert_element_type3A, %mul3A_6 : i32
    %add3A_8 = arith.constant 31232 : i32
    %add3A_9 = arith.addi %add3A_8, %mul3A_7 : i32
    %broadcast_in_dim3A = arith.constant 0.000000e+00 : f32
    %broadcast_in_dim3A_10 = vector.broadcast %broadcast_in_dim3A : f32 to vector<16xf32>
    %broadcast_in_dim3A_11 = arith.constant 1.000000e+00 : f32
    %broadcast_in_dim3A_12 = vector.broadcast %broadcast_in_dim3A_11 : f32 to vector<16xf32>
    %scan3A = arith.constant 0 : i32
    %scan3A_13 = arith.constant 0 : i32
    %scan3A_14 = arith.constant 1963 : i32
    %scan3A_15 = arith.addi %scan3A_13, %scan3A_14 : i32
    %scan3A_16 = arith.constant 1 : i32
    scf.for %scan3A_125 = %scan3A_13 to %scan3A_15 step %scan3A_16  : i32 {
      %mul3A_126 = arith.constant 16 : i32
      %mul3A_127 = arith.muli %scan3A_125, %mul3A_126 : i32
      %swap3A = arith.index_cast %mul3A_127 : i32 to index
      %swap3A_128 = tpu.vector_load %arg22[%swap3A] {strides = array<i32>} : memref<31808xf32, #tpu.memory_space<vmem>>, vector<16xf32>,
      %swap3A_129 = vector.shape_cast %swap3A_128 : vector<16xf32> to vector<16xf32>
      %swap3A_130 = vector.shape_cast %broadcast_in_dim3A_10 : vector<16xf32> to vector<16xf32>
      tpu.vector_store %arg22[%swap3A], %swap3A_130 {strides = array<i32>} : memref<31808xf32, #tpu.memory_space<vmem>>, vector<16xf32>,
    }
    %scan3A_17 = arith.constant 1963 : i32
    "tpu.region"() ({
      %run_scoped3A = tpu.sem_alloc : memref<!tpu.dma_semaphore, #tpu.memory_space<semaphore_mem>>
      tpu.enqueue_dma source(%arg2 : memref<16384xi32, #tpu.memory_space<hbm>>) target(%arg4 : memref<16384xi32, #tpu.memory_space<vmem>>) target_semaphore(%run_scoped3A : memref<!tpu.dma_semaphore, #tpu.memory_space<semaphore_mem>>)
      tpu.wait_dma2 semaphore(%run_scoped3A : memref<!tpu.dma_semaphore, #tpu.memory_space<semaphore_mem>>) src(%arg2 : memref<16384xi32, #tpu.memory_space<hbm>>) dst(%arg4 : memref<16384xi32, #tpu.memory_space<vmem>>)
      tpu.yield
    }) : () -> ()
    %iota3A = tpu.iota {dimensions = array<i32: 0>} : vector<16xi32>
    %scan3A_18 = arith.constant 0 : i32
    %scan3A_19 = arith.constant 0 : i32
    %scan3A_20 = arith.constant 64 : i32
    %scan3A_21 = arith.addi %scan3A_19, %scan3A_20 : i32
    %scan3A_22 = arith.constant 1 : i32
    scf.for %scan3A_125 = %scan3A_19 to %scan3A_21 step %scan3A_22  : i32 {
      %mul3A_126 = arith.constant 16 : i32
      %mul3A_127 = arith.muli %scan3A_125, %mul3A_126 : i32
      %add3A_128 = arith.constant 0 : i32
      %add3A_129 = arith.addi %add3A_128, %mul3A_127 : i32
      %get3A = arith.index_cast %add3A_129 : i32 to index
      %get3A_130 = tpu.vector_load %arg4[%get3A] {strides = array<i32>} : memref<16384xi32, #tpu.memory_space<vmem>>, vector<16xi32>,
      %get3A_131 = vector.shape_cast %get3A_130 : vector<16xi32> to vector<16xi32>
      %sub3A_132 = vector.broadcast %mul3A_4 : i32 to vector<16xi32>
      %sub3A_133 = arith.subi %get3A_131, %sub3A_132 : vector<16xi32>
      %ge3A = vector.broadcast %mul3A_2 : i32 to vector<16xi32>
      %ge3A_134 = arith.cmpi sge, %get3A_131, %ge3A : vector<16xi32>
      %add3A_135 = arith.addi %mul3A_2, %add3A_9 : i32
      %lt3A_136 = vector.broadcast %add3A_135 : i32 to vector<16xi32>
      %lt3A_137 = arith.cmpi slt, %get3A_131, %lt3A_136 : vector<16xi32>
      %and3A = arith.andi %ge3A_134, %lt3A_137 : vector<16xi1>
      %jit3A = arith.constant 64 : i32
      %eq3A_138 = arith.constant 0 : i32
      %eq3A_139 = arith.cmpi eq, %jit3A, %eq3A_138 : i32
      %jit3A_140 = arith.constant 1 : i32
      %select_n3A = arith.select %eq3A_139, %jit3A_140, %jit3A : i32
      %rem3A = arith.remsi %scan3A_125, %select_n3A : i32
      %ne3A = arith.constant 0 : i32
      %ne3A_141 = arith.cmpi ne, %rem3A, %ne3A : i32
      %lt3A_142 = arith.constant 0 : i32
      %lt3A_143 = arith.cmpi slt, %rem3A, %lt3A_142 : i32
      %lt3A_144 = arith.constant 0 : i32
      %lt3A_145 = arith.cmpi slt, %select_n3A, %lt3A_144 : i32
      %ne3A_146 = arith.xori %lt3A_143, %lt3A_145 : i1
      %and3A_147 = arith.andi %ne3A_146, %ne3A_141 : i1
      %add3A_148 = arith.addi %rem3A, %select_n3A : i32
      %select_n3A_149 = arith.select %and3A_147, %add3A_148, %rem3A : i32
      %mul3A_150 = arith.constant 16 : i32
      %mul3A_151 = arith.muli %select_n3A_149, %mul3A_150 : i32
      %add3A_152 = arith.constant 500288 : i32
      %add3A_153 = arith.addi %add3A_152, %mul3A_151 : i32
      %add3A_154 = vector.broadcast %add3A_153 : i32 to vector<16xi32>
      %add3A_155 = arith.addi %add3A_154, %iota3A : vector<16xi32>
      %select_n3A_156 = arith.select %and3A, %sub3A_133, %add3A_155 : vector<16xi1>, vector<16xi32>
      %mul3A_157 = arith.constant 16 : i32
      %mul3A_158 = arith.muli %scan3A_125, %mul3A_157 : i32
      %swap3A = arith.index_cast %mul3A_158 : i32 to index
      %swap3A_159 = tpu.vector_load %arg5[%swap3A] {strides = array<i32>} : memref<1024xi32, #tpu.memory_space<vmem>>, vector<16xi32>,
      %swap3A_160 = vector.shape_cast %swap3A_159 : vector<16xi32> to vector<16xi32>
      %swap3A_161 = vector.shape_cast %select_n3A_156 : vector<16xi32> to vector<16xi32>
      tpu.vector_store %arg5[%swap3A], %swap3A_161 {strides = array<i32>} : memref<1024xi32, #tpu.memory_space<vmem>>, vector<16xi32>,
      %select_n3A_162 = arith.select %and3A, %broadcast_in_dim3A_12, %broadcast_in_dim3A_10 : vector<16xi1>, vector<16xf32>
      %mul3A_163 = arith.constant 16 : i32
      %mul3A_164 = arith.muli %scan3A_125, %mul3A_163 : i32
      %add3A_165 = arith.constant 0 : i32
      %add3A_166 = arith.addi %add3A_165, %mul3A_164 : i32
      %swap3A_167 = arith.index_cast %add3A_166 : i32 to index
      %swap3A_168 = tpu.vector_load %arg21[%swap3A_167] {strides = array<i32>} : memref<16384xf32, #tpu.memory_space<vmem>>, vector<16xf32>,
      %swap3A_169 = vector.shape_cast %swap3A_168 : vector<16xf32> to vector<16xf32>
      %swap3A_170 = vector.shape_cast %select_n3A_162 : vector<16xf32> to vector<16xf32>
      tpu.vector_store %arg21[%swap3A_167], %swap3A_170 {strides = array<i32>} : memref<16384xf32, #tpu.memory_space<vmem>>, vector<16xf32>,
    }
    %scan3A_23 = arith.constant 64 : i32
    %scan3A_24 = arith.constant 0 : i32
    %scan3A_25 = arith.constant 0 : i32
    %scan3A_26 = arith.constant 64 : i32
    %scan3A_27 = arith.addi %scan3A_25, %scan3A_26 : i32
    %scan3A_28 = arith.constant 1 : i32
    scf.for %scan3A_125 = %scan3A_25 to %scan3A_27 step %scan3A_28  : i32 {
      %mul3A_126 = arith.constant 16 : i32
      %mul3A_127 = arith.muli %scan3A_125, %mul3A_126 : i32
      %add3A_128 = arith.constant 1024 : i32
      %add3A_129 = arith.addi %add3A_128, %mul3A_127 : i32
      %get3A = arith.index_cast %add3A_129 : i32 to index
      %get3A_130 = tpu.vector_load %arg4[%get3A] {strides = array<i32>} : memref<16384xi32, #tpu.memory_space<vmem>>, vector<16xi32>,
      %get3A_131 = vector.shape_cast %get3A_130 : vector<16xi32> to vector<16xi32>
      %sub3A_132 = vector.broadcast %mul3A_4 : i32 to vector<16xi32>
      %sub3A_133 = arith.subi %get3A_131, %sub3A_132 : vector<16xi32>
      %ge3A = vector.broadcast %mul3A_2 : i32 to vector<16xi32>
      %ge3A_134 = arith.cmpi sge, %get3A_131, %ge3A : vector<16xi32>
      %add3A_135 = arith.addi %mul3A_2, %add3A_9 : i32
      %lt3A_136 = vector.broadcast %add3A_135 : i32 to vector<16xi32>
      %lt3A_137 = arith.cmpi slt, %get3A_131, %lt3A_136 : vector<16xi32>
      %and3A = arith.andi %ge3A_134, %lt3A_137 : vector<16xi1>
      %jit3A = arith.constant 64 : i32
      %eq3A_138 = arith.constant 0 : i32
      %eq3A_139 = arith.cmpi eq, %jit3A, %eq3A_138 : i32
      %jit3A_140 = arith.constant 1 : i32
      %select_n3A = arith.select %eq3A_139, %jit3A_140, %jit3A : i32
      %rem3A = arith.remsi %scan3A_125, %select_n3A : i32
      %ne3A = arith.constant 0 : i32
      %ne3A_141 = arith.cmpi ne, %rem3A, %ne3A : i32
      %lt3A_142 = arith.constant 0 : i32
      %lt3A_143 = arith.cmpi slt, %rem3A, %lt3A_142 : i32
      %lt3A_144 = arith.constant 0 : i32
      %lt3A_145 = arith.cmpi slt, %select_n3A, %lt3A_144 : i32
      %ne3A_146 = arith.xori %lt3A_143, %lt3A_145 : i1
      %and3A_147 = arith.andi %ne3A_146, %ne3A_141 : i1
      %add3A_148 = arith.addi %rem3A, %select_n3A : i32
      %select_n3A_149 = arith.select %and3A_147, %add3A_148, %rem3A : i32
      %mul3A_150 = arith.constant 16 : i32
      %mul3A_151 = arith.muli %select_n3A_149, %mul3A_150 : i32
      %add3A_152 = arith.constant 500288 : i32
      %add3A_153 = arith.addi %add3A_152, %mul3A_151 : i32
      %add3A_154 = vector.broadcast %add3A_153 : i32 to vector<16xi32>
      %add3A_155 = arith.addi %add3A_154, %iota3A : vector<16xi32>
      %select_n3A_156 = arith.select %and3A, %sub3A_133, %add3A_155 : vector<16xi1>, vector<16xi32>
      %mul3A_157 = arith.constant 16 : i32
      %mul3A_158 = arith.muli %scan3A_125, %mul3A_157 : i32
      %swap3A = arith.index_cast %mul3A_158 : i32 to index
      %swap3A_159 = tpu.vector_load %arg6[%swap3A] {strides = array<i32>} : memref<1024xi32, #tpu.memory_space<vmem>>, vector<16xi32>,
      %swap3A_160 = vector.shape_cast %swap3A_159 : vector<16xi32> to vector<16xi32>
      %swap3A_161 = vector.shape_cast %select_n3A_156 : vector<16xi32> to vector<16xi32>
      tpu.vector_store %arg6[%swap3A], %swap3A_161 {strides = array<i32>} : memref<1024xi32, #tpu.memory_space<vmem>>, vector<16xi32>,
      %select_n3A_162 = arith.select %and3A, %broadcast_in_dim3A_12, %broadcast_in_dim3A_10 : vector<16xi1>, vector<16xf32>
      %mul3A_163 = arith.constant 16 : i32
      %mul3A_164 = arith.muli %scan3A_125, %mul3A_163 : i32
      %add3A_165 = arith.constant 1024 : i32
      %add3A_166 = arith.addi %add3A_165, %mul3A_164 : i32
      %swap3A_167 = arith.index_cast %add3A_166 : i32 to index
      %swap3A_168 = tpu.vector_load %arg21[%swap3A_167] {strides = array<i32>} : memref<16384xf32, #tpu.memory_space<vmem>>, vector<16xf32>,
      %swap3A_169 = vector.shape_cast %swap3A_168 : vector<16xf32> to vector<16xf32>
      %swap3A_170 = vector.shape_cast %select_n3A_162 : vector<16xf32> to vector<16xf32>
      tpu.vector_store %arg21[%swap3A_167], %swap3A_170 {strides = array<i32>} : memref<16384xf32, #tpu.memory_space<vmem>>, vector<16xf32>,
    }
    %scan3A_29 = arith.constant 64 : i32
    %scan3A_30 = arith.constant 0 : i32
    %scan3A_31 = arith.constant 0 : i32
    %scan3A_32 = arith.constant 64 : i32
    %scan3A_33 = arith.addi %scan3A_31, %scan3A_32 : i32
    %scan3A_34 = arith.constant 1 : i32
    scf.for %scan3A_125 = %scan3A_31 to %scan3A_33 step %scan3A_34  : i32 {
      %mul3A_126 = arith.constant 16 : i32
      %mul3A_127 = arith.muli %scan3A_125, %mul3A_126 : i32
      %add3A_128 = arith.constant 2048 : i32
      %add3A_129 = arith.addi %add3A_128, %mul3A_127 : i32
      %get3A = arith.index_cast %add3A_129 : i32 to index
      %get3A_130 = tpu.vector_load %arg4[%get3A] {strides = array<i32>} : memref<16384xi32, #tpu.memory_space<vmem>>, vector<16xi32>,
      %get3A_131 = vector.shape_cast %get3A_130 : vector<16xi32> to vector<16xi32>
      %sub3A_132 = vector.broadcast %mul3A_4 : i32 to vector<16xi32>
      %sub3A_133 = arith.subi %get3A_131, %sub3A_132 : vector<16xi32>
      %ge3A = vector.broadcast %mul3A_2 : i32 to vector<16xi32>
      %ge3A_134 = arith.cmpi sge, %get3A_131, %ge3A : vector<16xi32>
      %add3A_135 = arith.addi %mul3A_2, %add3A_9 : i32
      %lt3A_136 = vector.broadcast %add3A_135 : i32 to vector<16xi32>
      %lt3A_137 = arith.cmpi slt, %get3A_131, %lt3A_136 : vector<16xi32>
      %and3A = arith.andi %ge3A_134, %lt3A_137 : vector<16xi1>
      %jit3A = arith.constant 64 : i32
      %eq3A_138 = arith.constant 0 : i32
      %eq3A_139 = arith.cmpi eq, %jit3A, %eq3A_138 : i32
      %jit3A_140 = arith.constant 1 : i32
      %select_n3A = arith.select %eq3A_139, %jit3A_140, %jit3A : i32
      %rem3A = arith.remsi %scan3A_125, %select_n3A : i32
      %ne3A = arith.constant 0 : i32
      %ne3A_141 = arith.cmpi ne, %rem3A, %ne3A : i32
      %lt3A_142 = arith.constant 0 : i32
      %lt3A_143 = arith.cmpi slt, %rem3A, %lt3A_142 : i32
      %lt3A_144 = arith.constant 0 : i32
      %lt3A_145 = arith.cmpi slt, %select_n3A, %lt3A_144 : i32
      %ne3A_146 = arith.xori %lt3A_143, %lt3A_145 : i1
      %and3A_147 = arith.andi %ne3A_146, %ne3A_141 : i1
      %add3A_148 = arith.addi %rem3A, %select_n3A : i32
      %select_n3A_149 = arith.select %and3A_147, %add3A_148, %rem3A : i32
      %mul3A_150 = arith.constant 16 : i32
      %mul3A_151 = arith.muli %select_n3A_149, %mul3A_150 : i32
      %add3A_152 = arith.constant 500288 : i32
      %add3A_153 = arith.addi %add3A_152, %mul3A_151 : i32
      %add3A_154 = vector.broadcast %add3A_153 : i32 to vector<16xi32>
      %add3A_155 = arith.addi %add3A_154, %iota3A : vector<16xi32>
      %select_n3A_156 = arith.select %and3A, %sub3A_133, %add3A_155 : vector<16xi1>, vector<16xi32>
      %mul3A_157 = arith.constant 16 : i32
      %mul3A_158 = arith.muli %scan3A_125, %mul3A_157 : i32
      %swap3A = arith.index_cast %mul3A_158 : i32 to index
      %swap3A_159 = tpu.vector_load %arg7[%swap3A] {strides = array<i32>} : memref<1024xi32, #tpu.memory_space<vmem>>, vector<16xi32>,
      %swap3A_160 = vector.shape_cast %swap3A_159 : vector<16xi32> to vector<16xi32>
      %swap3A_161 = vector.shape_cast %select_n3A_156 : vector<16xi32> to vector<16xi32>
      tpu.vector_store %arg7[%swap3A], %swap3A_161 {strides = array<i32>} : memref<1024xi32, #tpu.memory_space<vmem>>, vector<16xi32>,
      %select_n3A_162 = arith.select %and3A, %broadcast_in_dim3A_12, %broadcast_in_dim3A_10 : vector<16xi1>, vector<16xf32>
      %mul3A_163 = arith.constant 16 : i32
      %mul3A_164 = arith.muli %scan3A_125, %mul3A_163 : i32
      %add3A_165 = arith.constant 2048 : i32
      %add3A_166 = arith.addi %add3A_165, %mul3A_164 : i32
      %swap3A_167 = arith.index_cast %add3A_166 : i32 to index
      %swap3A_168 = tpu.vector_load %arg21[%swap3A_167] {strides = array<i32>} : memref<16384xf32, #tpu.memory_space<vmem>>, vector<16xf32>,
      %swap3A_169 = vector.shape_cast %swap3A_168 : vector<16xf32> to vector<16xf32>
      %swap3A_170 = vector.shape_cast %select_n3A_162 : vector<16xf32> to vector<16xf32>
      tpu.vector_store %arg21[%swap3A_167], %swap3A_170 {strides = array<i32>} : memref<16384xf32, #tpu.memory_space<vmem>>, vector<16xf32>,
    }
    %scan3A_35 = arith.constant 64 : i32
    %scan3A_36 = arith.constant 0 : i32
    %scan3A_37 = arith.constant 0 : i32
    %scan3A_38 = arith.constant 64 : i32
    %scan3A_39 = arith.addi %scan3A_37, %scan3A_38 : i32
    %scan3A_40 = arith.constant 1 : i32
    scf.for %scan3A_125 = %scan3A_37 to %scan3A_39 step %scan3A_40  : i32 {
      %mul3A_126 = arith.constant 16 : i32
      %mul3A_127 = arith.muli %scan3A_125, %mul3A_126 : i32
      %add3A_128 = arith.constant 3072 : i32
      %add3A_129 = arith.addi %add3A_128, %mul3A_127 : i32
      %get3A = arith.index_cast %add3A_129 : i32 to index
      %get3A_130 = tpu.vector_load %arg4[%get3A] {strides = array<i32>} : memref<16384xi32, #tpu.memory_space<vmem>>, vector<16xi32>,
      %get3A_131 = vector.shape_cast %get3A_130 : vector<16xi32> to vector<16xi32>
      %sub3A_132 = vector.broadcast %mul3A_4 : i32 to vector<16xi32>
      %sub3A_133 = arith.subi %get3A_131, %sub3A_132 : vector<16xi32>
      %ge3A = vector.broadcast %mul3A_2 : i32 to vector<16xi32>
      %ge3A_134 = arith.cmpi sge, %get3A_131, %ge3A : vector<16xi32>
      %add3A_135 = arith.addi %mul3A_2, %add3A_9 : i32
      %lt3A_136 = vector.broadcast %add3A_135 : i32 to vector<16xi32>
      %lt3A_137 = arith.cmpi slt, %get3A_131, %lt3A_136 : vector<16xi32>
      %and3A = arith.andi %ge3A_134, %lt3A_137 : vector<16xi1>
      %jit3A = arith.constant 64 : i32
      %eq3A_138 = arith.constant 0 : i32
      %eq3A_139 = arith.cmpi eq, %jit3A, %eq3A_138 : i32
      %jit3A_140 = arith.constant 1 : i32
      %select_n3A = arith.select %eq3A_139, %jit3A_140, %jit3A : i32
      %rem3A = arith.remsi %scan3A_125, %select_n3A : i32
      %ne3A = arith.constant 0 : i32
      %ne3A_141 = arith.cmpi ne, %rem3A, %ne3A : i32
      %lt3A_142 = arith.constant 0 : i32
      %lt3A_143 = arith.cmpi slt, %rem3A, %lt3A_142 : i32
      %lt3A_144 = arith.constant 0 : i32
      %lt3A_145 = arith.cmpi slt, %select_n3A, %lt3A_144 : i32
      %ne3A_146 = arith.xori %lt3A_143, %lt3A_145 : i1
      %and3A_147 = arith.andi %ne3A_146, %ne3A_141 : i1
      %add3A_148 = arith.addi %rem3A, %select_n3A : i32
      %select_n3A_149 = arith.select %and3A_147, %add3A_148, %rem3A : i32
      %mul3A_150 = arith.constant 16 : i32
      %mul3A_151 = arith.muli %select_n3A_149, %mul3A_150 : i32
      %add3A_152 = arith.constant 500288 : i32
      %add3A_153 = arith.addi %add3A_152, %mul3A_151 : i32
      %add3A_154 = vector.broadcast %add3A_153 : i32 to vector<16xi32>
      %add3A_155 = arith.addi %add3A_154, %iota3A : vector<16xi32>
      %select_n3A_156 = arith.select %and3A, %sub3A_133, %add3A_155 : vector<16xi1>, vector<16xi32>
      %mul3A_157 = arith.constant 16 : i32
      %mul3A_158 = arith.muli %scan3A_125, %mul3A_157 : i32
      %swap3A = arith.index_cast %mul3A_158 : i32 to index
      %swap3A_159 = tpu.vector_load %arg8[%swap3A] {strides = array<i32>} : memref<1024xi32, #tpu.memory_space<vmem>>, vector<16xi32>,
      %swap3A_160 = vector.shape_cast %swap3A_159 : vector<16xi32> to vector<16xi32>
      %swap3A_161 = vector.shape_cast %select_n3A_156 : vector<16xi32> to vector<16xi32>
      tpu.vector_store %arg8[%swap3A], %swap3A_161 {strides = array<i32>} : memref<1024xi32, #tpu.memory_space<vmem>>, vector<16xi32>,
      %select_n3A_162 = arith.select %and3A, %broadcast_in_dim3A_12, %broadcast_in_dim3A_10 : vector<16xi1>, vector<16xf32>
      %mul3A_163 = arith.constant 16 : i32
      %mul3A_164 = arith.muli %scan3A_125, %mul3A_163 : i32
      %add3A_165 = arith.constant 3072 : i32
      %add3A_166 = arith.addi %add3A_165, %mul3A_164 : i32
      %swap3A_167 = arith.index_cast %add3A_166 : i32 to index
      %swap3A_168 = tpu.vector_load %arg21[%swap3A_167] {strides = array<i32>} : memref<16384xf32, #tpu.memory_space<vmem>>, vector<16xf32>,
      %swap3A_169 = vector.shape_cast %swap3A_168 : vector<16xf32> to vector<16xf32>
      %swap3A_170 = vector.shape_cast %select_n3A_162 : vector<16xf32> to vector<16xf32>
      tpu.vector_store %arg21[%swap3A_167], %swap3A_170 {strides = array<i32>} : memref<16384xf32, #tpu.memory_space<vmem>>, vector<16xf32>,
    }
    %scan3A_41 = arith.constant 64 : i32
    %scan3A_42 = arith.constant 0 : i32
    %scan3A_43 = arith.constant 0 : i32
    %scan3A_44 = arith.constant 64 : i32
    %scan3A_45 = arith.addi %scan3A_43, %scan3A_44 : i32
    %scan3A_46 = arith.constant 1 : i32
    scf.for %scan3A_125 = %scan3A_43 to %scan3A_45 step %scan3A_46  : i32 {
      %mul3A_126 = arith.constant 16 : i32
      %mul3A_127 = arith.muli %scan3A_125, %mul3A_126 : i32
      %add3A_128 = arith.constant 4096 : i32
      %add3A_129 = arith.addi %add3A_128, %mul3A_127 : i32
      %get3A = arith.index_cast %add3A_129 : i32 to index
      %get3A_130 = tpu.vector_load %arg4[%get3A] {strides = array<i32>} : memref<16384xi32, #tpu.memory_space<vmem>>, vector<16xi32>,
      %get3A_131 = vector.shape_cast %get3A_130 : vector<16xi32> to vector<16xi32>
      %sub3A_132 = vector.broadcast %mul3A_4 : i32 to vector<16xi32>
      %sub3A_133 = arith.subi %get3A_131, %sub3A_132 : vector<16xi32>
      %ge3A = vector.broadcast %mul3A_2 : i32 to vector<16xi32>
      %ge3A_134 = arith.cmpi sge, %get3A_131, %ge3A : vector<16xi32>
      %add3A_135 = arith.addi %mul3A_2, %add3A_9 : i32
      %lt3A_136 = vector.broadcast %add3A_135 : i32 to vector<16xi32>
      %lt3A_137 = arith.cmpi slt, %get3A_131, %lt3A_136 : vector<16xi32>
      %and3A = arith.andi %ge3A_134, %lt3A_137 : vector<16xi1>
      %jit3A = arith.constant 64 : i32
      %eq3A_138 = arith.constant 0 : i32
      %eq3A_139 = arith.cmpi eq, %jit3A, %eq3A_138 : i32
      %jit3A_140 = arith.constant 1 : i32
      %select_n3A = arith.select %eq3A_139, %jit3A_140, %jit3A : i32
      %rem3A = arith.remsi %scan3A_125, %select_n3A : i32
      %ne3A = arith.constant 0 : i32
      %ne3A_141 = arith.cmpi ne, %rem3A, %ne3A : i32
      %lt3A_142 = arith.constant 0 : i32
      %lt3A_143 = arith.cmpi slt, %rem3A, %lt3A_142 : i32
      %lt3A_144 = arith.constant 0 : i32
      %lt3A_145 = arith.cmpi slt, %select_n3A, %lt3A_144 : i32
      %ne3A_146 = arith.xori %lt3A_143, %lt3A_145 : i1
      %and3A_147 = arith.andi %ne3A_146, %ne3A_141 : i1
      %add3A_148 = arith.addi %rem3A, %select_n3A : i32
      %select_n3A_149 = arith.select %and3A_147, %add3A_148, %rem3A : i32
      %mul3A_150 = arith.constant 16 : i32
      %mul3A_151 = arith.muli %select_n3A_149, %mul3A_150 : i32
      %add3A_152 = arith.constant 500288 : i32
      %add3A_153 = arith.addi %add3A_152, %mul3A_151 : i32
      %add3A_154 = vector.broadcast %add3A_153 : i32 to vector<16xi32>
      %add3A_155 = arith.addi %add3A_154, %iota3A : vector<16xi32>
      %select_n3A_156 = arith.select %and3A, %sub3A_133, %add3A_155 : vector<16xi1>, vector<16xi32>
      %mul3A_157 = arith.constant 16 : i32
      %mul3A_158 = arith.muli %scan3A_125, %mul3A_157 : i32
      %swap3A = arith.index_cast %mul3A_158 : i32 to index
      %swap3A_159 = tpu.vector_load %arg9[%swap3A] {strides = array<i32>} : memref<1024xi32, #tpu.memory_space<vmem>>, vector<16xi32>,
      %swap3A_160 = vector.shape_cast %swap3A_159 : vector<16xi32> to vector<16xi32>
      %swap3A_161 = vector.shape_cast %select_n3A_156 : vector<16xi32> to vector<16xi32>
      tpu.vector_store %arg9[%swap3A], %swap3A_161 {strides = array<i32>} : memref<1024xi32, #tpu.memory_space<vmem>>, vector<16xi32>,
      %select_n3A_162 = arith.select %and3A, %broadcast_in_dim3A_12, %broadcast_in_dim3A_10 : vector<16xi1>, vector<16xf32>
      %mul3A_163 = arith.constant 16 : i32
      %mul3A_164 = arith.muli %scan3A_125, %mul3A_163 : i32
      %add3A_165 = arith.constant 4096 : i32
      %add3A_166 = arith.addi %add3A_165, %mul3A_164 : i32
      %swap3A_167 = arith.index_cast %add3A_166 : i32 to index
      %swap3A_168 = tpu.vector_load %arg21[%swap3A_167] {strides = array<i32>} : memref<16384xf32, #tpu.memory_space<vmem>>, vector<16xf32>,
      %swap3A_169 = vector.shape_cast %swap3A_168 : vector<16xf32> to vector<16xf32>
      %swap3A_170 = vector.shape_cast %select_n3A_162 : vector<16xf32> to vector<16xf32>
      tpu.vector_store %arg21[%swap3A_167], %swap3A_170 {strides = array<i32>} : memref<16384xf32, #tpu.memory_space<vmem>>, vector<16xf32>,
    }
    %scan3A_47 = arith.constant 64 : i32
    %scan3A_48 = arith.constant 0 : i32
    %scan3A_49 = arith.constant 0 : i32
    %scan3A_50 = arith.constant 64 : i32
    %scan3A_51 = arith.addi %scan3A_49, %scan3A_50 : i32
    %scan3A_52 = arith.constant 1 : i32
    scf.for %scan3A_125 = %scan3A_49 to %scan3A_51 step %scan3A_52  : i32 {
      %mul3A_126 = arith.constant 16 : i32
      %mul3A_127 = arith.muli %scan3A_125, %mul3A_126 : i32
      %add3A_128 = arith.constant 5120 : i32
      %add3A_129 = arith.addi %add3A_128, %mul3A_127 : i32
      %get3A = arith.index_cast %add3A_129 : i32 to index
      %get3A_130 = tpu.vector_load %arg4[%get3A] {strides = array<i32>} : memref<16384xi32, #tpu.memory_space<vmem>>, vector<16xi32>,
      %get3A_131 = vector.shape_cast %get3A_130 : vector<16xi32> to vector<16xi32>
      %sub3A_132 = vector.broadcast %mul3A_4 : i32 to vector<16xi32>
      %sub3A_133 = arith.subi %get3A_131, %sub3A_132 : vector<16xi32>
      %ge3A = vector.broadcast %mul3A_2 : i32 to vector<16xi32>
      %ge3A_134 = arith.cmpi sge, %get3A_131, %ge3A : vector<16xi32>
      %add3A_135 = arith.addi %mul3A_2, %add3A_9 : i32
      %lt3A_136 = vector.broadcast %add3A_135 : i32 to vector<16xi32>
      %lt3A_137 = arith.cmpi slt, %get3A_131, %lt3A_136 : vector<16xi32>
      %and3A = arith.andi %ge3A_134, %lt3A_137 : vector<16xi1>
      %jit3A = arith.constant 64 : i32
      %eq3A_138 = arith.constant 0 : i32
      %eq3A_139 = arith.cmpi eq, %jit3A, %eq3A_138 : i32
      %jit3A_140 = arith.constant 1 : i32
      %select_n3A = arith.select %eq3A_139, %jit3A_140, %jit3A : i32
      %rem3A = arith.remsi %scan3A_125, %select_n3A : i32
      %ne3A = arith.constant 0 : i32
      %ne3A_141 = arith.cmpi ne, %rem3A, %ne3A : i32
      %lt3A_142 = arith.constant 0 : i32
      %lt3A_143 = arith.cmpi slt, %rem3A, %lt3A_142 : i32
      %lt3A_144 = arith.constant 0 : i32
      %lt3A_145 = arith.cmpi slt, %select_n3A, %lt3A_144 : i32
      %ne3A_146 = arith.xori %lt3A_143, %lt3A_145 : i1
      %and3A_147 = arith.andi %ne3A_146, %ne3A_141 : i1
      %add3A_148 = arith.addi %rem3A, %select_n3A : i32
      %select_n3A_149 = arith.select %and3A_147, %add3A_148, %rem3A : i32
      %mul3A_150 = arith.constant 16 : i32
      %mul3A_151 = arith.muli %select_n3A_149, %mul3A_150 : i32
      %add3A_152 = arith.constant 500288 : i32
      %add3A_153 = arith.addi %add3A_152, %mul3A_151 : i32
      %add3A_154 = vector.broadcast %add3A_153 : i32 to vector<16xi32>
      %add3A_155 = arith.addi %add3A_154, %iota3A : vector<16xi32>
      %select_n3A_156 = arith.select %and3A, %sub3A_133, %add3A_155 : vector<16xi1>, vector<16xi32>
      %mul3A_157 = arith.constant 16 : i32
      %mul3A_158 = arith.muli %scan3A_125, %mul3A_157 : i32
      %swap3A = arith.index_cast %mul3A_158 : i32 to index
      %swap3A_159 = tpu.vector_load %arg10[%swap3A] {strides = array<i32>} : memref<1024xi32, #tpu.memory_space<vmem>>, vector<16xi32>,
      %swap3A_160 = vector.shape_cast %swap3A_159 : vector<16xi32> to vector<16xi32>
      %swap3A_161 = vector.shape_cast %select_n3A_156 : vector<16xi32> to vector<16xi32>
      tpu.vector_store %arg10[%swap3A], %swap3A_161 {strides = array<i32>} : memref<1024xi32, #tpu.memory_space<vmem>>, vector<16xi32>,
      %select_n3A_162 = arith.select %and3A, %broadcast_in_dim3A_12, %broadcast_in_dim3A_10 : vector<16xi1>, vector<16xf32>
      %mul3A_163 = arith.constant 16 : i32
      %mul3A_164 = arith.muli %scan3A_125, %mul3A_163 : i32
      %add3A_165 = arith.constant 5120 : i32
      %add3A_166 = arith.addi %add3A_165, %mul3A_164 : i32
      %swap3A_167 = arith.index_cast %add3A_166 : i32 to index
      %swap3A_168 = tpu.vector_load %arg21[%swap3A_167] {strides = array<i32>} : memref<16384xf32, #tpu.memory_space<vmem>>, vector<16xf32>,
      %swap3A_169 = vector.shape_cast %swap3A_168 : vector<16xf32> to vector<16xf32>
      %swap3A_170 = vector.shape_cast %select_n3A_162 : vector<16xf32> to vector<16xf32>
      tpu.vector_store %arg21[%swap3A_167], %swap3A_170 {strides = array<i32>} : memref<16384xf32, #tpu.memory_space<vmem>>, vector<16xf32>,
    }
    %scan3A_53 = arith.constant 64 : i32
    %scan3A_54 = arith.constant 0 : i32
    %scan3A_55 = arith.constant 0 : i32
    %scan3A_56 = arith.constant 64 : i32
    %scan3A_57 = arith.addi %scan3A_55, %scan3A_56 : i32
    %scan3A_58 = arith.constant 1 : i32
    scf.for %scan3A_125 = %scan3A_55 to %scan3A_57 step %scan3A_58  : i32 {
      %mul3A_126 = arith.constant 16 : i32
      %mul3A_127 = arith.muli %scan3A_125, %mul3A_126 : i32
      %add3A_128 = arith.constant 6144 : i32
      %add3A_129 = arith.addi %add3A_128, %mul3A_127 : i32
      %get3A = arith.index_cast %add3A_129 : i32 to index
      %get3A_130 = tpu.vector_load %arg4[%get3A] {strides = array<i32>} : memref<16384xi32, #tpu.memory_space<vmem>>, vector<16xi32>,
      %get3A_131 = vector.shape_cast %get3A_130 : vector<16xi32> to vector<16xi32>
      %sub3A_132 = vector.broadcast %mul3A_4 : i32 to vector<16xi32>
      %sub3A_133 = arith.subi %get3A_131, %sub3A_132 : vector<16xi32>
      %ge3A = vector.broadcast %mul3A_2 : i32 to vector<16xi32>
      %ge3A_134 = arith.cmpi sge, %get3A_131, %ge3A : vector<16xi32>
      %add3A_135 = arith.addi %mul3A_2, %add3A_9 : i32
      %lt3A_136 = vector.broadcast %add3A_135 : i32 to vector<16xi32>
      %lt3A_137 = arith.cmpi slt, %get3A_131, %lt3A_136 : vector<16xi32>
      %and3A = arith.andi %ge3A_134, %lt3A_137 : vector<16xi1>
      %jit3A = arith.constant 64 : i32
      %eq3A_138 = arith.constant 0 : i32
      %eq3A_139 = arith.cmpi eq, %jit3A, %eq3A_138 : i32
      %jit3A_140 = arith.constant 1 : i32
      %select_n3A = arith.select %eq3A_139, %jit3A_140, %jit3A : i32
      %rem3A = arith.remsi %scan3A_125, %select_n3A : i32
      %ne3A = arith.constant 0 : i32
      %ne3A_141 = arith.cmpi ne, %rem3A, %ne3A : i32
      %lt3A_142 = arith.constant 0 : i32
      %lt3A_143 = arith.cmpi slt, %rem3A, %lt3A_142 : i32
      %lt3A_144 = arith.constant 0 : i32
      %lt3A_145 = arith.cmpi slt, %select_n3A, %lt3A_144 : i32
      %ne3A_146 = arith.xori %lt3A_143, %lt3A_145 : i1
      %and3A_147 = arith.andi %ne3A_146, %ne3A_141 : i1
      %add3A_148 = arith.addi %rem3A, %select_n3A : i32
      %select_n3A_149 = arith.select %and3A_147, %add3A_148, %rem3A : i32
      %mul3A_150 = arith.constant 16 : i32
      %mul3A_151 = arith.muli %select_n3A_149, %mul3A_150 : i32
      %add3A_152 = arith.constant 500288 : i32
      %add3A_153 = arith.addi %add3A_152, %mul3A_151 : i32
      %add3A_154 = vector.broadcast %add3A_153 : i32 to vector<16xi32>
      %add3A_155 = arith.addi %add3A_154, %iota3A : vector<16xi32>
      %select_n3A_156 = arith.select %and3A, %sub3A_133, %add3A_155 : vector<16xi1>, vector<16xi32>
      %mul3A_157 = arith.constant 16 : i32
      %mul3A_158 = arith.muli %scan3A_125, %mul3A_157 : i32
      %swap3A = arith.index_cast %mul3A_158 : i32 to index
      %swap3A_159 = tpu.vector_load %arg11[%swap3A] {strides = array<i32>} : memref<1024xi32, #tpu.memory_space<vmem>>, vector<16xi32>,
      %swap3A_160 = vector.shape_cast %swap3A_159 : vector<16xi32> to vector<16xi32>
      %swap3A_161 = vector.shape_cast %select_n3A_156 : vector<16xi32> to vector<16xi32>
      tpu.vector_store %arg11[%swap3A], %swap3A_161 {strides = array<i32>} : memref<1024xi32, #tpu.memory_space<vmem>>, vector<16xi32>,
      %select_n3A_162 = arith.select %and3A, %broadcast_in_dim3A_12, %broadcast_in_dim3A_10 : vector<16xi1>, vector<16xf32>
      %mul3A_163 = arith.constant 16 : i32
      %mul3A_164 = arith.muli %scan3A_125, %mul3A_163 : i32
      %add3A_165 = arith.constant 6144 : i32
      %add3A_166 = arith.addi %add3A_165, %mul3A_164 : i32
      %swap3A_167 = arith.index_cast %add3A_166 : i32 to index
      %swap3A_168 = tpu.vector_load %arg21[%swap3A_167] {strides = array<i32>} : memref<16384xf32, #tpu.memory_space<vmem>>, vector<16xf32>,
      %swap3A_169 = vector.shape_cast %swap3A_168 : vector<16xf32> to vector<16xf32>
      %swap3A_170 = vector.shape_cast %select_n3A_162 : vector<16xf32> to vector<16xf32>
      tpu.vector_store %arg21[%swap3A_167], %swap3A_170 {strides = array<i32>} : memref<16384xf32, #tpu.memory_space<vmem>>, vector<16xf32>,
    }
    %scan3A_59 = arith.constant 64 : i32
    %scan3A_60 = arith.constant 0 : i32
    %scan3A_61 = arith.constant 0 : i32
    %scan3A_62 = arith.constant 64 : i32
    %scan3A_63 = arith.addi %scan3A_61, %scan3A_62 : i32
    %scan3A_64 = arith.constant 1 : i32
    scf.for %scan3A_125 = %scan3A_61 to %scan3A_63 step %scan3A_64  : i32 {
      %mul3A_126 = arith.constant 16 : i32
      %mul3A_127 = arith.muli %scan3A_125, %mul3A_126 : i32
      %add3A_128 = arith.constant 7168 : i32
      %add3A_129 = arith.addi %add3A_128, %mul3A_127 : i32
      %get3A = arith.index_cast %add3A_129 : i32 to index
      %get3A_130 = tpu.vector_load %arg4[%get3A] {strides = array<i32>} : memref<16384xi32, #tpu.memory_space<vmem>>, vector<16xi32>,
      %get3A_131 = vector.shape_cast %get3A_130 : vector<16xi32> to vector<16xi32>
      %sub3A_132 = vector.broadcast %mul3A_4 : i32 to vector<16xi32>
      %sub3A_133 = arith.subi %get3A_131, %sub3A_132 : vector<16xi32>
      %ge3A = vector.broadcast %mul3A_2 : i32 to vector<16xi32>
      %ge3A_134 = arith.cmpi sge, %get3A_131, %ge3A : vector<16xi32>
      %add3A_135 = arith.addi %mul3A_2, %add3A_9 : i32
      %lt3A_136 = vector.broadcast %add3A_135 : i32 to vector<16xi32>
      %lt3A_137 = arith.cmpi slt, %get3A_131, %lt3A_136 : vector<16xi32>
      %and3A = arith.andi %ge3A_134, %lt3A_137 : vector<16xi1>
      %jit3A = arith.constant 64 : i32
      %eq3A_138 = arith.constant 0 : i32
      %eq3A_139 = arith.cmpi eq, %jit3A, %eq3A_138 : i32
      %jit3A_140 = arith.constant 1 : i32
      %select_n3A = arith.select %eq3A_139, %jit3A_140, %jit3A : i32
      %rem3A = arith.remsi %scan3A_125, %select_n3A : i32
      %ne3A = arith.constant 0 : i32
      %ne3A_141 = arith.cmpi ne, %rem3A, %ne3A : i32
      %lt3A_142 = arith.constant 0 : i32
      %lt3A_143 = arith.cmpi slt, %rem3A, %lt3A_142 : i32
      %lt3A_144 = arith.constant 0 : i32
      %lt3A_145 = arith.cmpi slt, %select_n3A, %lt3A_144 : i32
      %ne3A_146 = arith.xori %lt3A_143, %lt3A_145 : i1
      %and3A_147 = arith.andi %ne3A_146, %ne3A_141 : i1
      %add3A_148 = arith.addi %rem3A, %select_n3A : i32
      %select_n3A_149 = arith.select %and3A_147, %add3A_148, %rem3A : i32
      %mul3A_150 = arith.constant 16 : i32
      %mul3A_151 = arith.muli %select_n3A_149, %mul3A_150 : i32
      %add3A_152 = arith.constant 500288 : i32
      %add3A_153 = arith.addi %add3A_152, %mul3A_151 : i32
      %add3A_154 = vector.broadcast %add3A_153 : i32 to vector<16xi32>
      %add3A_155 = arith.addi %add3A_154, %iota3A : vector<16xi32>
      %select_n3A_156 = arith.select %and3A, %sub3A_133, %add3A_155 : vector<16xi1>, vector<16xi32>
      %mul3A_157 = arith.constant 16 : i32
      %mul3A_158 = arith.muli %scan3A_125, %mul3A_157 : i32
      %swap3A = arith.index_cast %mul3A_158 : i32 to index
      %swap3A_159 = tpu.vector_load %arg12[%swap3A] {strides = array<i32>} : memref<1024xi32, #tpu.memory_space<vmem>>, vector<16xi32>,
      %swap3A_160 = vector.shape_cast %swap3A_159 : vector<16xi32> to vector<16xi32>
      %swap3A_161 = vector.shape_cast %select_n3A_156 : vector<16xi32> to vector<16xi32>
      tpu.vector_store %arg12[%swap3A], %swap3A_161 {strides = array<i32>} : memref<1024xi32, #tpu.memory_space<vmem>>, vector<16xi32>,
      %select_n3A_162 = arith.select %and3A, %broadcast_in_dim3A_12, %broadcast_in_dim3A_10 : vector<16xi1>, vector<16xf32>
      %mul3A_163 = arith.constant 16 : i32
      %mul3A_164 = arith.muli %scan3A_125, %mul3A_163 : i32
      %add3A_165 = arith.constant 7168 : i32
      %add3A_166 = arith.addi %add3A_165, %mul3A_164 : i32
      %swap3A_167 = arith.index_cast %add3A_166 : i32 to index
      %swap3A_168 = tpu.vector_load %arg21[%swap3A_167] {strides = array<i32>} : memref<16384xf32, #tpu.memory_space<vmem>>, vector<16xf32>,
      %swap3A_169 = vector.shape_cast %swap3A_168 : vector<16xf32> to vector<16xf32>
      %swap3A_170 = vector.shape_cast %select_n3A_162 : vector<16xf32> to vector<16xf32>
      tpu.vector_store %arg21[%swap3A_167], %swap3A_170 {strides = array<i32>} : memref<16384xf32, #tpu.memory_space<vmem>>, vector<16xf32>,
    }
    %scan3A_65 = arith.constant 64 : i32
    %scan3A_66 = arith.constant 0 : i32
    %scan3A_67 = arith.constant 0 : i32
    %scan3A_68 = arith.constant 64 : i32
    %scan3A_69 = arith.addi %scan3A_67, %scan3A_68 : i32
    %scan3A_70 = arith.constant 1 : i32
    scf.for %scan3A_125 = %scan3A_67 to %scan3A_69 step %scan3A_70  : i32 {
      %mul3A_126 = arith.constant 16 : i32
      %mul3A_127 = arith.muli %scan3A_125, %mul3A_126 : i32
      %add3A_128 = arith.constant 8192 : i32
      %add3A_129 = arith.addi %add3A_128, %mul3A_127 : i32
      %get3A = arith.index_cast %add3A_129 : i32 to index
      %get3A_130 = tpu.vector_load %arg4[%get3A] {strides = array<i32>} : memref<16384xi32, #tpu.memory_space<vmem>>, vector<16xi32>,
      %get3A_131 = vector.shape_cast %get3A_130 : vector<16xi32> to vector<16xi32>
      %sub3A_132 = vector.broadcast %mul3A_4 : i32 to vector<16xi32>
      %sub3A_133 = arith.subi %get3A_131, %sub3A_132 : vector<16xi32>
      %ge3A = vector.broadcast %mul3A_2 : i32 to vector<16xi32>
      %ge3A_134 = arith.cmpi sge, %get3A_131, %ge3A : vector<16xi32>
      %add3A_135 = arith.addi %mul3A_2, %add3A_9 : i32
      %lt3A_136 = vector.broadcast %add3A_135 : i32 to vector<16xi32>
      %lt3A_137 = arith.cmpi slt, %get3A_131, %lt3A_136 : vector<16xi32>
      %and3A = arith.andi %ge3A_134, %lt3A_137 : vector<16xi1>
      %jit3A = arith.constant 64 : i32
      %eq3A_138 = arith.constant 0 : i32
      %eq3A_139 = arith.cmpi eq, %jit3A, %eq3A_138 : i32
      %jit3A_140 = arith.constant 1 : i32
      %select_n3A = arith.select %eq3A_139, %jit3A_140, %jit3A : i32
      %rem3A = arith.remsi %scan3A_125, %select_n3A : i32
      %ne3A = arith.constant 0 : i32
      %ne3A_141 = arith.cmpi ne, %rem3A, %ne3A : i32
      %lt3A_142 = arith.constant 0 : i32
      %lt3A_143 = arith.cmpi slt, %rem3A, %lt3A_142 : i32
      %lt3A_144 = arith.constant 0 : i32
      %lt3A_145 = arith.cmpi slt, %select_n3A, %lt3A_144 : i32
      %ne3A_146 = arith.xori %lt3A_143, %lt3A_145 : i1
      %and3A_147 = arith.andi %ne3A_146, %ne3A_141 : i1
      %add3A_148 = arith.addi %rem3A, %select_n3A : i32
      %select_n3A_149 = arith.select %and3A_147, %add3A_148, %rem3A : i32
      %mul3A_150 = arith.constant 16 : i32
      %mul3A_151 = arith.muli %select_n3A_149, %mul3A_150 : i32
      %add3A_152 = arith.constant 500288 : i32
      %add3A_153 = arith.addi %add3A_152, %mul3A_151 : i32
      %add3A_154 = vector.broadcast %add3A_153 : i32 to vector<16xi32>
      %add3A_155 = arith.addi %add3A_154, %iota3A : vector<16xi32>
      %select_n3A_156 = arith.select %and3A, %sub3A_133, %add3A_155 : vector<16xi1>, vector<16xi32>
      %mul3A_157 = arith.constant 16 : i32
      %mul3A_158 = arith.muli %scan3A_125, %mul3A_157 : i32
      %swap3A = arith.index_cast %mul3A_158 : i32 to index
      %swap3A_159 = tpu.vector_load %arg13[%swap3A] {strides = array<i32>} : memref<1024xi32, #tpu.memory_space<vmem>>, vector<16xi32>,
      %swap3A_160 = vector.shape_cast %swap3A_159 : vector<16xi32> to vector<16xi32>
      %swap3A_161 = vector.shape_cast %select_n3A_156 : vector<16xi32> to vector<16xi32>
      tpu.vector_store %arg13[%swap3A], %swap3A_161 {strides = array<i32>} : memref<1024xi32, #tpu.memory_space<vmem>>, vector<16xi32>,
      %select_n3A_162 = arith.select %and3A, %broadcast_in_dim3A_12, %broadcast_in_dim3A_10 : vector<16xi1>, vector<16xf32>
      %mul3A_163 = arith.constant 16 : i32
      %mul3A_164 = arith.muli %scan3A_125, %mul3A_163 : i32
      %add3A_165 = arith.constant 8192 : i32
      %add3A_166 = arith.addi %add3A_165, %mul3A_164 : i32
      %swap3A_167 = arith.index_cast %add3A_166 : i32 to index
      %swap3A_168 = tpu.vector_load %arg21[%swap3A_167] {strides = array<i32>} : memref<16384xf32, #tpu.memory_space<vmem>>, vector<16xf32>,
      %swap3A_169 = vector.shape_cast %swap3A_168 : vector<16xf32> to vector<16xf32>
      %swap3A_170 = vector.shape_cast %select_n3A_162 : vector<16xf32> to vector<16xf32>
      tpu.vector_store %arg21[%swap3A_167], %swap3A_170 {strides = array<i32>} : memref<16384xf32, #tpu.memory_space<vmem>>, vector<16xf32>,
    }
    %scan3A_71 = arith.constant 64 : i32
    %scan3A_72 = arith.constant 0 : i32
    %scan3A_73 = arith.constant 0 : i32
    %scan3A_74 = arith.constant 64 : i32
    %scan3A_75 = arith.addi %scan3A_73, %scan3A_74 : i32
    %scan3A_76 = arith.constant 1 : i32
    scf.for %scan3A_125 = %scan3A_73 to %scan3A_75 step %scan3A_76  : i32 {
      %mul3A_126 = arith.constant 16 : i32
      %mul3A_127 = arith.muli %scan3A_125, %mul3A_126 : i32
      %add3A_128 = arith.constant 9216 : i32
      %add3A_129 = arith.addi %add3A_128, %mul3A_127 : i32
      %get3A = arith.index_cast %add3A_129 : i32 to index
      %get3A_130 = tpu.vector_load %arg4[%get3A] {strides = array<i32>} : memref<16384xi32, #tpu.memory_space<vmem>>, vector<16xi32>,
      %get3A_131 = vector.shape_cast %get3A_130 : vector<16xi32> to vector<16xi32>
      %sub3A_132 = vector.broadcast %mul3A_4 : i32 to vector<16xi32>
      %sub3A_133 = arith.subi %get3A_131, %sub3A_132 : vector<16xi32>
      %ge3A = vector.broadcast %mul3A_2 : i32 to vector<16xi32>
      %ge3A_134 = arith.cmpi sge, %get3A_131, %ge3A : vector<16xi32>
      %add3A_135 = arith.addi %mul3A_2, %add3A_9 : i32
      %lt3A_136 = vector.broadcast %add3A_135 : i32 to vector<16xi32>
      %lt3A_137 = arith.cmpi slt, %get3A_131, %lt3A_136 : vector<16xi32>
      %and3A = arith.andi %ge3A_134, %lt3A_137 : vector<16xi1>
      %jit3A = arith.constant 64 : i32
      %eq3A_138 = arith.constant 0 : i32
      %eq3A_139 = arith.cmpi eq, %jit3A, %eq3A_138 : i32
      %jit3A_140 = arith.constant 1 : i32
      %select_n3A = arith.select %eq3A_139, %jit3A_140, %jit3A : i32
      %rem3A = arith.remsi %scan3A_125, %select_n3A : i32
      %ne3A = arith.constant 0 : i32
      %ne3A_141 = arith.cmpi ne, %rem3A, %ne3A : i32
      %lt3A_142 = arith.constant 0 : i32
      %lt3A_143 = arith.cmpi slt, %rem3A, %lt3A_142 : i32
      %lt3A_144 = arith.constant 0 : i32
      %lt3A_145 = arith.cmpi slt, %select_n3A, %lt3A_144 : i32
      %ne3A_146 = arith.xori %lt3A_143, %lt3A_145 : i1
      %and3A_147 = arith.andi %ne3A_146, %ne3A_141 : i1
      %add3A_148 = arith.addi %rem3A, %select_n3A : i32
      %select_n3A_149 = arith.select %and3A_147, %add3A_148, %rem3A : i32
      %mul3A_150 = arith.constant 16 : i32
      %mul3A_151 = arith.muli %select_n3A_149, %mul3A_150 : i32
      %add3A_152 = arith.constant 500288 : i32
      %add3A_153 = arith.addi %add3A_152, %mul3A_151 : i32
      %add3A_154 = vector.broadcast %add3A_153 : i32 to vector<16xi32>
      %add3A_155 = arith.addi %add3A_154, %iota3A : vector<16xi32>
      %select_n3A_156 = arith.select %and3A, %sub3A_133, %add3A_155 : vector<16xi1>, vector<16xi32>
      %mul3A_157 = arith.constant 16 : i32
      %mul3A_158 = arith.muli %scan3A_125, %mul3A_157 : i32
      %swap3A = arith.index_cast %mul3A_158 : i32 to index
      %swap3A_159 = tpu.vector_load %arg14[%swap3A] {strides = array<i32>} : memref<1024xi32, #tpu.memory_space<vmem>>, vector<16xi32>,
      %swap3A_160 = vector.shape_cast %swap3A_159 : vector<16xi32> to vector<16xi32>
      %swap3A_161 = vector.shape_cast %select_n3A_156 : vector<16xi32> to vector<16xi32>
      tpu.vector_store %arg14[%swap3A], %swap3A_161 {strides = array<i32>} : memref<1024xi32, #tpu.memory_space<vmem>>, vector<16xi32>,
      %select_n3A_162 = arith.select %and3A, %broadcast_in_dim3A_12, %broadcast_in_dim3A_10 : vector<16xi1>, vector<16xf32>
      %mul3A_163 = arith.constant 16 : i32
      %mul3A_164 = arith.muli %scan3A_125, %mul3A_163 : i32
      %add3A_165 = arith.constant 9216 : i32
      %add3A_166 = arith.addi %add3A_165, %mul3A_164 : i32
      %swap3A_167 = arith.index_cast %add3A_166 : i32 to index
      %swap3A_168 = tpu.vector_load %arg21[%swap3A_167] {strides = array<i32>} : memref<16384xf32, #tpu.memory_space<vmem>>, vector<16xf32>,
      %swap3A_169 = vector.shape_cast %swap3A_168 : vector<16xf32> to vector<16xf32>
      %swap3A_170 = vector.shape_cast %select_n3A_162 : vector<16xf32> to vector<16xf32>
      tpu.vector_store %arg21[%swap3A_167], %swap3A_170 {strides = array<i32>} : memref<16384xf32, #tpu.memory_space<vmem>>, vector<16xf32>,
    }
    %scan3A_77 = arith.constant 64 : i32
    %scan3A_78 = arith.constant 0 : i32
    %scan3A_79 = arith.constant 0 : i32
    %scan3A_80 = arith.constant 64 : i32
    %scan3A_81 = arith.addi %scan3A_79, %scan3A_80 : i32
    %scan3A_82 = arith.constant 1 : i32
    scf.for %scan3A_125 = %scan3A_79 to %scan3A_81 step %scan3A_82  : i32 {
      %mul3A_126 = arith.constant 16 : i32
      %mul3A_127 = arith.muli %scan3A_125, %mul3A_126 : i32
      %add3A_128 = arith.constant 10240 : i32
      %add3A_129 = arith.addi %add3A_128, %mul3A_127 : i32
      %get3A = arith.index_cast %add3A_129 : i32 to index
      %get3A_130 = tpu.vector_load %arg4[%get3A] {strides = array<i32>} : memref<16384xi32, #tpu.memory_space<vmem>>, vector<16xi32>,
      %get3A_131 = vector.shape_cast %get3A_130 : vector<16xi32> to vector<16xi32>
      %sub3A_132 = vector.broadcast %mul3A_4 : i32 to vector<16xi32>
      %sub3A_133 = arith.subi %get3A_131, %sub3A_132 : vector<16xi32>
      %ge3A = vector.broadcast %mul3A_2 : i32 to vector<16xi32>
      %ge3A_134 = arith.cmpi sge, %get3A_131, %ge3A : vector<16xi32>
      %add3A_135 = arith.addi %mul3A_2, %add3A_9 : i32
      %lt3A_136 = vector.broadcast %add3A_135 : i32 to vector<16xi32>
      %lt3A_137 = arith.cmpi slt, %get3A_131, %lt3A_136 : vector<16xi32>
      %and3A = arith.andi %ge3A_134, %lt3A_137 : vector<16xi1>
      %jit3A = arith.constant 64 : i32
      %eq3A_138 = arith.constant 0 : i32
      %eq3A_139 = arith.cmpi eq, %jit3A, %eq3A_138 : i32
      %jit3A_140 = arith.constant 1 : i32
      %select_n3A = arith.select %eq3A_139, %jit3A_140, %jit3A : i32
      %rem3A = arith.remsi %scan3A_125, %select_n3A : i32
      %ne3A = arith.constant 0 : i32
      %ne3A_141 = arith.cmpi ne, %rem3A, %ne3A : i32
      %lt3A_142 = arith.constant 0 : i32
      %lt3A_143 = arith.cmpi slt, %rem3A, %lt3A_142 : i32
      %lt3A_144 = arith.constant 0 : i32
      %lt3A_145 = arith.cmpi slt, %select_n3A, %lt3A_144 : i32
      %ne3A_146 = arith.xori %lt3A_143, %lt3A_145 : i1
      %and3A_147 = arith.andi %ne3A_146, %ne3A_141 : i1
      %add3A_148 = arith.addi %rem3A, %select_n3A : i32
      %select_n3A_149 = arith.select %and3A_147, %add3A_148, %rem3A : i32
      %mul3A_150 = arith.constant 16 : i32
      %mul3A_151 = arith.muli %select_n3A_149, %mul3A_150 : i32
      %add3A_152 = arith.constant 500288 : i32
      %add3A_153 = arith.addi %add3A_152, %mul3A_151 : i32
      %add3A_154 = vector.broadcast %add3A_153 : i32 to vector<16xi32>
      %add3A_155 = arith.addi %add3A_154, %iota3A : vector<16xi32>
      %select_n3A_156 = arith.select %and3A, %sub3A_133, %add3A_155 : vector<16xi1>, vector<16xi32>
      %mul3A_157 = arith.constant 16 : i32
      %mul3A_158 = arith.muli %scan3A_125, %mul3A_157 : i32
      %swap3A = arith.index_cast %mul3A_158 : i32 to index
      %swap3A_159 = tpu.vector_load %arg15[%swap3A] {strides = array<i32>} : memref<1024xi32, #tpu.memory_space<vmem>>, vector<16xi32>,
      %swap3A_160 = vector.shape_cast %swap3A_159 : vector<16xi32> to vector<16xi32>
      %swap3A_161 = vector.shape_cast %select_n3A_156 : vector<16xi32> to vector<16xi32>
      tpu.vector_store %arg15[%swap3A], %swap3A_161 {strides = array<i32>} : memref<1024xi32, #tpu.memory_space<vmem>>, vector<16xi32>,
      %select_n3A_162 = arith.select %and3A, %broadcast_in_dim3A_12, %broadcast_in_dim3A_10 : vector<16xi1>, vector<16xf32>
      %mul3A_163 = arith.constant 16 : i32
      %mul3A_164 = arith.muli %scan3A_125, %mul3A_163 : i32
      %add3A_165 = arith.constant 10240 : i32
      %add3A_166 = arith.addi %add3A_165, %mul3A_164 : i32
      %swap3A_167 = arith.index_cast %add3A_166 : i32 to index
      %swap3A_168 = tpu.vector_load %arg21[%swap3A_167] {strides = array<i32>} : memref<16384xf32, #tpu.memory_space<vmem>>, vector<16xf32>,
      %swap3A_169 = vector.shape_cast %swap3A_168 : vector<16xf32> to vector<16xf32>
      %swap3A_170 = vector.shape_cast %select_n3A_162 : vector<16xf32> to vector<16xf32>
      tpu.vector_store %arg21[%swap3A_167], %swap3A_170 {strides = array<i32>} : memref<16384xf32, #tpu.memory_space<vmem>>, vector<16xf32>,
    }
    %scan3A_83 = arith.constant 64 : i32
    %scan3A_84 = arith.constant 0 : i32
    %scan3A_85 = arith.constant 0 : i32
    %scan3A_86 = arith.constant 64 : i32
    %scan3A_87 = arith.addi %scan3A_85, %scan3A_86 : i32
    %scan3A_88 = arith.constant 1 : i32
    scf.for %scan3A_125 = %scan3A_85 to %scan3A_87 step %scan3A_88  : i32 {
      %mul3A_126 = arith.constant 16 : i32
      %mul3A_127 = arith.muli %scan3A_125, %mul3A_126 : i32
      %add3A_128 = arith.constant 11264 : i32
      %add3A_129 = arith.addi %add3A_128, %mul3A_127 : i32
      %get3A = arith.index_cast %add3A_129 : i32 to index
      %get3A_130 = tpu.vector_load %arg4[%get3A] {strides = array<i32>} : memref<16384xi32, #tpu.memory_space<vmem>>, vector<16xi32>,
      %get3A_131 = vector.shape_cast %get3A_130 : vector<16xi32> to vector<16xi32>
      %sub3A_132 = vector.broadcast %mul3A_4 : i32 to vector<16xi32>
      %sub3A_133 = arith.subi %get3A_131, %sub3A_132 : vector<16xi32>
      %ge3A = vector.broadcast %mul3A_2 : i32 to vector<16xi32>
      %ge3A_134 = arith.cmpi sge, %get3A_131, %ge3A : vector<16xi32>
      %add3A_135 = arith.addi %mul3A_2, %add3A_9 : i32
      %lt3A_136 = vector.broadcast %add3A_135 : i32 to vector<16xi32>
      %lt3A_137 = arith.cmpi slt, %get3A_131, %lt3A_136 : vector<16xi32>
      %and3A = arith.andi %ge3A_134, %lt3A_137 : vector<16xi1>
      %jit3A = arith.constant 64 : i32
      %eq3A_138 = arith.constant 0 : i32
      %eq3A_139 = arith.cmpi eq, %jit3A, %eq3A_138 : i32
      %jit3A_140 = arith.constant 1 : i32
      %select_n3A = arith.select %eq3A_139, %jit3A_140, %jit3A : i32
      %rem3A = arith.remsi %scan3A_125, %select_n3A : i32
      %ne3A = arith.constant 0 : i32
      %ne3A_141 = arith.cmpi ne, %rem3A, %ne3A : i32
      %lt3A_142 = arith.constant 0 : i32
      %lt3A_143 = arith.cmpi slt, %rem3A, %lt3A_142 : i32
      %lt3A_144 = arith.constant 0 : i32
      %lt3A_145 = arith.cmpi slt, %select_n3A, %lt3A_144 : i32
      %ne3A_146 = arith.xori %lt3A_143, %lt3A_145 : i1
      %and3A_147 = arith.andi %ne3A_146, %ne3A_141 : i1
      %add3A_148 = arith.addi %rem3A, %select_n3A : i32
      %select_n3A_149 = arith.select %and3A_147, %add3A_148, %rem3A : i32
      %mul3A_150 = arith.constant 16 : i32
      %mul3A_151 = arith.muli %select_n3A_149, %mul3A_150 : i32
      %add3A_152 = arith.constant 500288 : i32
      %add3A_153 = arith.addi %add3A_152, %mul3A_151 : i32
      %add3A_154 = vector.broadcast %add3A_153 : i32 to vector<16xi32>
      %add3A_155 = arith.addi %add3A_154, %iota3A : vector<16xi32>
      %select_n3A_156 = arith.select %and3A, %sub3A_133, %add3A_155 : vector<16xi1>, vector<16xi32>
      %mul3A_157 = arith.constant 16 : i32
      %mul3A_158 = arith.muli %scan3A_125, %mul3A_157 : i32
      %swap3A = arith.index_cast %mul3A_158 : i32 to index
      %swap3A_159 = tpu.vector_load %arg16[%swap3A] {strides = array<i32>} : memref<1024xi32, #tpu.memory_space<vmem>>, vector<16xi32>,
      %swap3A_160 = vector.shape_cast %swap3A_159 : vector<16xi32> to vector<16xi32>
      %swap3A_161 = vector.shape_cast %select_n3A_156 : vector<16xi32> to vector<16xi32>
      tpu.vector_store %arg16[%swap3A], %swap3A_161 {strides = array<i32>} : memref<1024xi32, #tpu.memory_space<vmem>>, vector<16xi32>,
      %select_n3A_162 = arith.select %and3A, %broadcast_in_dim3A_12, %broadcast_in_dim3A_10 : vector<16xi1>, vector<16xf32>
      %mul3A_163 = arith.constant 16 : i32
      %mul3A_164 = arith.muli %scan3A_125, %mul3A_163 : i32
      %add3A_165 = arith.constant 11264 : i32
      %add3A_166 = arith.addi %add3A_165, %mul3A_164 : i32
      %swap3A_167 = arith.index_cast %add3A_166 : i32 to index
      %swap3A_168 = tpu.vector_load %arg21[%swap3A_167] {strides = array<i32>} : memref<16384xf32, #tpu.memory_space<vmem>>, vector<16xf32>,
      %swap3A_169 = vector.shape_cast %swap3A_168 : vector<16xf32> to vector<16xf32>
      %swap3A_170 = vector.shape_cast %select_n3A_162 : vector<16xf32> to vector<16xf32>
      tpu.vector_store %arg21[%swap3A_167], %swap3A_170 {strides = array<i32>} : memref<16384xf32, #tpu.memory_space<vmem>>, vector<16xf32>,
    }
    %scan3A_89 = arith.constant 64 : i32
    %scan3A_90 = arith.constant 0 : i32
    %scan3A_91 = arith.constant 0 : i32
    %scan3A_92 = arith.constant 64 : i32
    %scan3A_93 = arith.addi %scan3A_91, %scan3A_92 : i32
    %scan3A_94 = arith.constant 1 : i32
    scf.for %scan3A_125 = %scan3A_91 to %scan3A_93 step %scan3A_94  : i32 {
      %mul3A_126 = arith.constant 16 : i32
      %mul3A_127 = arith.muli %scan3A_125, %mul3A_126 : i32
      %add3A_128 = arith.constant 12288 : i32
      %add3A_129 = arith.addi %add3A_128, %mul3A_127 : i32
      %get3A = arith.index_cast %add3A_129 : i32 to index
      %get3A_130 = tpu.vector_load %arg4[%get3A] {strides = array<i32>} : memref<16384xi32, #tpu.memory_space<vmem>>, vector<16xi32>,
      %get3A_131 = vector.shape_cast %get3A_130 : vector<16xi32> to vector<16xi32>
      %sub3A_132 = vector.broadcast %mul3A_4 : i32 to vector<16xi32>
      %sub3A_133 = arith.subi %get3A_131, %sub3A_132 : vector<16xi32>
      %ge3A = vector.broadcast %mul3A_2 : i32 to vector<16xi32>
      %ge3A_134 = arith.cmpi sge, %get3A_131, %ge3A : vector<16xi32>
      %add3A_135 = arith.addi %mul3A_2, %add3A_9 : i32
      %lt3A_136 = vector.broadcast %add3A_135 : i32 to vector<16xi32>
      %lt3A_137 = arith.cmpi slt, %get3A_131, %lt3A_136 : vector<16xi32>
      %and3A = arith.andi %ge3A_134, %lt3A_137 : vector<16xi1>
      %jit3A = arith.constant 64 : i32
      %eq3A_138 = arith.constant 0 : i32
      %eq3A_139 = arith.cmpi eq, %jit3A, %eq3A_138 : i32
      %jit3A_140 = arith.constant 1 : i32
      %select_n3A = arith.select %eq3A_139, %jit3A_140, %jit3A : i32
      %rem3A = arith.remsi %scan3A_125, %select_n3A : i32
      %ne3A = arith.constant 0 : i32
      %ne3A_141 = arith.cmpi ne, %rem3A, %ne3A : i32
      %lt3A_142 = arith.constant 0 : i32
      %lt3A_143 = arith.cmpi slt, %rem3A, %lt3A_142 : i32
      %lt3A_144 = arith.constant 0 : i32
      %lt3A_145 = arith.cmpi slt, %select_n3A, %lt3A_144 : i32
      %ne3A_146 = arith.xori %lt3A_143, %lt3A_145 : i1
      %and3A_147 = arith.andi %ne3A_146, %ne3A_141 : i1
      %add3A_148 = arith.addi %rem3A, %select_n3A : i32
      %select_n3A_149 = arith.select %and3A_147, %add3A_148, %rem3A : i32
      %mul3A_150 = arith.constant 16 : i32
      %mul3A_151 = arith.muli %select_n3A_149, %mul3A_150 : i32
      %add3A_152 = arith.constant 500288 : i32
      %add3A_153 = arith.addi %add3A_152, %mul3A_151 : i32
      %add3A_154 = vector.broadcast %add3A_153 : i32 to vector<16xi32>
      %add3A_155 = arith.addi %add3A_154, %iota3A : vector<16xi32>
      %select_n3A_156 = arith.select %and3A, %sub3A_133, %add3A_155 : vector<16xi1>, vector<16xi32>
      %mul3A_157 = arith.constant 16 : i32
      %mul3A_158 = arith.muli %scan3A_125, %mul3A_157 : i32
      %swap3A = arith.index_cast %mul3A_158 : i32 to index
      %swap3A_159 = tpu.vector_load %arg17[%swap3A] {strides = array<i32>} : memref<1024xi32, #tpu.memory_space<vmem>>, vector<16xi32>,
      %swap3A_160 = vector.shape_cast %swap3A_159 : vector<16xi32> to vector<16xi32>
      %swap3A_161 = vector.shape_cast %select_n3A_156 : vector<16xi32> to vector<16xi32>
      tpu.vector_store %arg17[%swap3A], %swap3A_161 {strides = array<i32>} : memref<1024xi32, #tpu.memory_space<vmem>>, vector<16xi32>,
      %select_n3A_162 = arith.select %and3A, %broadcast_in_dim3A_12, %broadcast_in_dim3A_10 : vector<16xi1>, vector<16xf32>
      %mul3A_163 = arith.constant 16 : i32
      %mul3A_164 = arith.muli %scan3A_125, %mul3A_163 : i32
      %add3A_165 = arith.constant 12288 : i32
      %add3A_166 = arith.addi %add3A_165, %mul3A_164 : i32
      %swap3A_167 = arith.index_cast %add3A_166 : i32 to index
      %swap3A_168 = tpu.vector_load %arg21[%swap3A_167] {strides = array<i32>} : memref<16384xf32, #tpu.memory_space<vmem>>, vector<16xf32>,
      %swap3A_169 = vector.shape_cast %swap3A_168 : vector<16xf32> to vector<16xf32>
      %swap3A_170 = vector.shape_cast %select_n3A_162 : vector<16xf32> to vector<16xf32>
      tpu.vector_store %arg21[%swap3A_167], %swap3A_170 {strides = array<i32>} : memref<16384xf32, #tpu.memory_space<vmem>>, vector<16xf32>,
    }
    %scan3A_95 = arith.constant 64 : i32
    %scan3A_96 = arith.constant 0 : i32
    %scan3A_97 = arith.constant 0 : i32
    %scan3A_98 = arith.constant 64 : i32
    %scan3A_99 = arith.addi %scan3A_97, %scan3A_98 : i32
    %scan3A_100 = arith.constant 1 : i32
    scf.for %scan3A_125 = %scan3A_97 to %scan3A_99 step %scan3A_100  : i32 {
      %mul3A_126 = arith.constant 16 : i32
      %mul3A_127 = arith.muli %scan3A_125, %mul3A_126 : i32
      %add3A_128 = arith.constant 13312 : i32
      %add3A_129 = arith.addi %add3A_128, %mul3A_127 : i32
      %get3A = arith.index_cast %add3A_129 : i32 to index
      %get3A_130 = tpu.vector_load %arg4[%get3A] {strides = array<i32>} : memref<16384xi32, #tpu.memory_space<vmem>>, vector<16xi32>,
      %get3A_131 = vector.shape_cast %get3A_130 : vector<16xi32> to vector<16xi32>
      %sub3A_132 = vector.broadcast %mul3A_4 : i32 to vector<16xi32>
      %sub3A_133 = arith.subi %get3A_131, %sub3A_132 : vector<16xi32>
      %ge3A = vector.broadcast %mul3A_2 : i32 to vector<16xi32>
      %ge3A_134 = arith.cmpi sge, %get3A_131, %ge3A : vector<16xi32>
      %add3A_135 = arith.addi %mul3A_2, %add3A_9 : i32
      %lt3A_136 = vector.broadcast %add3A_135 : i32 to vector<16xi32>
      %lt3A_137 = arith.cmpi slt, %get3A_131, %lt3A_136 : vector<16xi32>
      %and3A = arith.andi %ge3A_134, %lt3A_137 : vector<16xi1>
      %jit3A = arith.constant 64 : i32
      %eq3A_138 = arith.constant 0 : i32
      %eq3A_139 = arith.cmpi eq, %jit3A, %eq3A_138 : i32
      %jit3A_140 = arith.constant 1 : i32
      %select_n3A = arith.select %eq3A_139, %jit3A_140, %jit3A : i32
      %rem3A = arith.remsi %scan3A_125, %select_n3A : i32
      %ne3A = arith.constant 0 : i32
      %ne3A_141 = arith.cmpi ne, %rem3A, %ne3A : i32
      %lt3A_142 = arith.constant 0 : i32
      %lt3A_143 = arith.cmpi slt, %rem3A, %lt3A_142 : i32
      %lt3A_144 = arith.constant 0 : i32
      %lt3A_145 = arith.cmpi slt, %select_n3A, %lt3A_144 : i32
      %ne3A_146 = arith.xori %lt3A_143, %lt3A_145 : i1
      %and3A_147 = arith.andi %ne3A_146, %ne3A_141 : i1
      %add3A_148 = arith.addi %rem3A, %select_n3A : i32
      %select_n3A_149 = arith.select %and3A_147, %add3A_148, %rem3A : i32
      %mul3A_150 = arith.constant 16 : i32
      %mul3A_151 = arith.muli %select_n3A_149, %mul3A_150 : i32
      %add3A_152 = arith.constant 500288 : i32
      %add3A_153 = arith.addi %add3A_152, %mul3A_151 : i32
      %add3A_154 = vector.broadcast %add3A_153 : i32 to vector<16xi32>
      %add3A_155 = arith.addi %add3A_154, %iota3A : vector<16xi32>
      %select_n3A_156 = arith.select %and3A, %sub3A_133, %add3A_155 : vector<16xi1>, vector<16xi32>
      %mul3A_157 = arith.constant 16 : i32
      %mul3A_158 = arith.muli %scan3A_125, %mul3A_157 : i32
      %swap3A = arith.index_cast %mul3A_158 : i32 to index
      %swap3A_159 = tpu.vector_load %arg18[%swap3A] {strides = array<i32>} : memref<1024xi32, #tpu.memory_space<vmem>>, vector<16xi32>,
      %swap3A_160 = vector.shape_cast %swap3A_159 : vector<16xi32> to vector<16xi32>
      %swap3A_161 = vector.shape_cast %select_n3A_156 : vector<16xi32> to vector<16xi32>
      tpu.vector_store %arg18[%swap3A], %swap3A_161 {strides = array<i32>} : memref<1024xi32, #tpu.memory_space<vmem>>, vector<16xi32>,
      %select_n3A_162 = arith.select %and3A, %broadcast_in_dim3A_12, %broadcast_in_dim3A_10 : vector<16xi1>, vector<16xf32>
      %mul3A_163 = arith.constant 16 : i32
      %mul3A_164 = arith.muli %scan3A_125, %mul3A_163 : i32
      %add3A_165 = arith.constant 13312 : i32
      %add3A_166 = arith.addi %add3A_165, %mul3A_164 : i32
      %swap3A_167 = arith.index_cast %add3A_166 : i32 to index
      %swap3A_168 = tpu.vector_load %arg21[%swap3A_167] {strides = array<i32>} : memref<16384xf32, #tpu.memory_space<vmem>>, vector<16xf32>,
      %swap3A_169 = vector.shape_cast %swap3A_168 : vector<16xf32> to vector<16xf32>
      %swap3A_170 = vector.shape_cast %select_n3A_162 : vector<16xf32> to vector<16xf32>
      tpu.vector_store %arg21[%swap3A_167], %swap3A_170 {strides = array<i32>} : memref<16384xf32, #tpu.memory_space<vmem>>, vector<16xf32>,
    }
    %scan3A_101 = arith.constant 64 : i32
    %scan3A_102 = arith.constant 0 : i32
    %scan3A_103 = arith.constant 0 : i32
    %scan3A_104 = arith.constant 64 : i32
    %scan3A_105 = arith.addi %scan3A_103, %scan3A_104 : i32
    %scan3A_106 = arith.constant 1 : i32
    scf.for %scan3A_125 = %scan3A_103 to %scan3A_105 step %scan3A_106  : i32 {
      %mul3A_126 = arith.constant 16 : i32
      %mul3A_127 = arith.muli %scan3A_125, %mul3A_126 : i32
      %add3A_128 = arith.constant 14336 : i32
      %add3A_129 = arith.addi %add3A_128, %mul3A_127 : i32
      %get3A = arith.index_cast %add3A_129 : i32 to index
      %get3A_130 = tpu.vector_load %arg4[%get3A] {strides = array<i32>} : memref<16384xi32, #tpu.memory_space<vmem>>, vector<16xi32>,
      %get3A_131 = vector.shape_cast %get3A_130 : vector<16xi32> to vector<16xi32>
      %sub3A_132 = vector.broadcast %mul3A_4 : i32 to vector<16xi32>
      %sub3A_133 = arith.subi %get3A_131, %sub3A_132 : vector<16xi32>
      %ge3A = vector.broadcast %mul3A_2 : i32 to vector<16xi32>
      %ge3A_134 = arith.cmpi sge, %get3A_131, %ge3A : vector<16xi32>
      %add3A_135 = arith.addi %mul3A_2, %add3A_9 : i32
      %lt3A_136 = vector.broadcast %add3A_135 : i32 to vector<16xi32>
      %lt3A_137 = arith.cmpi slt, %get3A_131, %lt3A_136 : vector<16xi32>
      %and3A = arith.andi %ge3A_134, %lt3A_137 : vector<16xi1>
      %jit3A = arith.constant 64 : i32
      %eq3A_138 = arith.constant 0 : i32
      %eq3A_139 = arith.cmpi eq, %jit3A, %eq3A_138 : i32
      %jit3A_140 = arith.constant 1 : i32
      %select_n3A = arith.select %eq3A_139, %jit3A_140, %jit3A : i32
      %rem3A = arith.remsi %scan3A_125, %select_n3A : i32
      %ne3A = arith.constant 0 : i32
      %ne3A_141 = arith.cmpi ne, %rem3A, %ne3A : i32
      %lt3A_142 = arith.constant 0 : i32
      %lt3A_143 = arith.cmpi slt, %rem3A, %lt3A_142 : i32
      %lt3A_144 = arith.constant 0 : i32
      %lt3A_145 = arith.cmpi slt, %select_n3A, %lt3A_144 : i32
      %ne3A_146 = arith.xori %lt3A_143, %lt3A_145 : i1
      %and3A_147 = arith.andi %ne3A_146, %ne3A_141 : i1
      %add3A_148 = arith.addi %rem3A, %select_n3A : i32
      %select_n3A_149 = arith.select %and3A_147, %add3A_148, %rem3A : i32
      %mul3A_150 = arith.constant 16 : i32
      %mul3A_151 = arith.muli %select_n3A_149, %mul3A_150 : i32
      %add3A_152 = arith.constant 500288 : i32
      %add3A_153 = arith.addi %add3A_152, %mul3A_151 : i32
      %add3A_154 = vector.broadcast %add3A_153 : i32 to vector<16xi32>
      %add3A_155 = arith.addi %add3A_154, %iota3A : vector<16xi32>
      %select_n3A_156 = arith.select %and3A, %sub3A_133, %add3A_155 : vector<16xi1>, vector<16xi32>
      %mul3A_157 = arith.constant 16 : i32
      %mul3A_158 = arith.muli %scan3A_125, %mul3A_157 : i32
      %swap3A = arith.index_cast %mul3A_158 : i32 to index
      %swap3A_159 = tpu.vector_load %arg19[%swap3A] {strides = array<i32>} : memref<1024xi32, #tpu.memory_space<vmem>>, vector<16xi32>,
      %swap3A_160 = vector.shape_cast %swap3A_159 : vector<16xi32> to vector<16xi32>
      %swap3A_161 = vector.shape_cast %select_n3A_156 : vector<16xi32> to vector<16xi32>
      tpu.vector_store %arg19[%swap3A], %swap3A_161 {strides = array<i32>} : memref<1024xi32, #tpu.memory_space<vmem>>, vector<16xi32>,
      %select_n3A_162 = arith.select %and3A, %broadcast_in_dim3A_12, %broadcast_in_dim3A_10 : vector<16xi1>, vector<16xf32>
      %mul3A_163 = arith.constant 16 : i32
      %mul3A_164 = arith.muli %scan3A_125, %mul3A_163 : i32
      %add3A_165 = arith.constant 14336 : i32
      %add3A_166 = arith.addi %add3A_165, %mul3A_164 : i32
      %swap3A_167 = arith.index_cast %add3A_166 : i32 to index
      %swap3A_168 = tpu.vector_load %arg21[%swap3A_167] {strides = array<i32>} : memref<16384xf32, #tpu.memory_space<vmem>>, vector<16xf32>,
      %swap3A_169 = vector.shape_cast %swap3A_168 : vector<16xf32> to vector<16xf32>
      %swap3A_170 = vector.shape_cast %select_n3A_162 : vector<16xf32> to vector<16xf32>
      tpu.vector_store %arg21[%swap3A_167], %swap3A_170 {strides = array<i32>} : memref<16384xf32, #tpu.memory_space<vmem>>, vector<16xf32>,
    }
    %scan3A_107 = arith.constant 64 : i32
    %scan3A_108 = arith.constant 0 : i32
    %scan3A_109 = arith.constant 0 : i32
    %scan3A_110 = arith.constant 64 : i32
    %scan3A_111 = arith.addi %scan3A_109, %scan3A_110 : i32
    %scan3A_112 = arith.constant 1 : i32
    scf.for %scan3A_125 = %scan3A_109 to %scan3A_111 step %scan3A_112  : i32 {
      %mul3A_126 = arith.constant 16 : i32
      %mul3A_127 = arith.muli %scan3A_125, %mul3A_126 : i32
      %add3A_128 = arith.constant 15360 : i32
      %add3A_129 = arith.addi %add3A_128, %mul3A_127 : i32
      %get3A = arith.index_cast %add3A_129 : i32 to index
      %get3A_130 = tpu.vector_load %arg4[%get3A] {strides = array<i32>} : memref<16384xi32, #tpu.memory_space<vmem>>, vector<16xi32>,
      %get3A_131 = vector.shape_cast %get3A_130 : vector<16xi32> to vector<16xi32>
      %sub3A_132 = vector.broadcast %mul3A_4 : i32 to vector<16xi32>
      %sub3A_133 = arith.subi %get3A_131, %sub3A_132 : vector<16xi32>
      %ge3A = vector.broadcast %mul3A_2 : i32 to vector<16xi32>
      %ge3A_134 = arith.cmpi sge, %get3A_131, %ge3A : vector<16xi32>
      %add3A_135 = arith.addi %mul3A_2, %add3A_9 : i32
      %lt3A_136 = vector.broadcast %add3A_135 : i32 to vector<16xi32>
      %lt3A_137 = arith.cmpi slt, %get3A_131, %lt3A_136 : vector<16xi32>
      %and3A = arith.andi %ge3A_134, %lt3A_137 : vector<16xi1>
      %jit3A = arith.constant 64 : i32
      %eq3A_138 = arith.constant 0 : i32
      %eq3A_139 = arith.cmpi eq, %jit3A, %eq3A_138 : i32
      %jit3A_140 = arith.constant 1 : i32
      %select_n3A = arith.select %eq3A_139, %jit3A_140, %jit3A : i32
      %rem3A = arith.remsi %scan3A_125, %select_n3A : i32
      %ne3A = arith.constant 0 : i32
      %ne3A_141 = arith.cmpi ne, %rem3A, %ne3A : i32
      %lt3A_142 = arith.constant 0 : i32
      %lt3A_143 = arith.cmpi slt, %rem3A, %lt3A_142 : i32
      %lt3A_144 = arith.constant 0 : i32
      %lt3A_145 = arith.cmpi slt, %select_n3A, %lt3A_144 : i32
      %ne3A_146 = arith.xori %lt3A_143, %lt3A_145 : i1
      %and3A_147 = arith.andi %ne3A_146, %ne3A_141 : i1
      %add3A_148 = arith.addi %rem3A, %select_n3A : i32
      %select_n3A_149 = arith.select %and3A_147, %add3A_148, %rem3A : i32
      %mul3A_150 = arith.constant 16 : i32
      %mul3A_151 = arith.muli %select_n3A_149, %mul3A_150 : i32
      %add3A_152 = arith.constant 500288 : i32
      %add3A_153 = arith.addi %add3A_152, %mul3A_151 : i32
      %add3A_154 = vector.broadcast %add3A_153 : i32 to vector<16xi32>
      %add3A_155 = arith.addi %add3A_154, %iota3A : vector<16xi32>
      %select_n3A_156 = arith.select %and3A, %sub3A_133, %add3A_155 : vector<16xi1>, vector<16xi32>
      %mul3A_157 = arith.constant 16 : i32
      %mul3A_158 = arith.muli %scan3A_125, %mul3A_157 : i32
      %swap3A = arith.index_cast %mul3A_158 : i32 to index
      %swap3A_159 = tpu.vector_load %arg20[%swap3A] {strides = array<i32>} : memref<1024xi32, #tpu.memory_space<vmem>>, vector<16xi32>,
      %swap3A_160 = vector.shape_cast %swap3A_159 : vector<16xi32> to vector<16xi32>
      %swap3A_161 = vector.shape_cast %select_n3A_156 : vector<16xi32> to vector<16xi32>
      tpu.vector_store %arg20[%swap3A], %swap3A_161 {strides = array<i32>} : memref<1024xi32, #tpu.memory_space<vmem>>, vector<16xi32>,
      %select_n3A_162 = arith.select %and3A, %broadcast_in_dim3A_12, %broadcast_in_dim3A_10 : vector<16xi1>, vector<16xf32>
      %mul3A_163 = arith.constant 16 : i32
      %mul3A_164 = arith.muli %scan3A_125, %mul3A_163 : i32
      %add3A_165 = arith.constant 15360 : i32
      %add3A_166 = arith.addi %add3A_165, %mul3A_164 : i32
      %swap3A_167 = arith.index_cast %add3A_166 : i32 to index
      %swap3A_168 = tpu.vector_load %arg21[%swap3A_167] {strides = array<i32>} : memref<16384xf32, #tpu.memory_space<vmem>>, vector<16xf32>,
      %swap3A_169 = vector.shape_cast %swap3A_168 : vector<16xf32> to vector<16xf32>
      %swap3A_170 = vector.shape_cast %select_n3A_162 : vector<16xf32> to vector<16xf32>
      tpu.vector_store %arg21[%swap3A_167], %swap3A_170 {strides = array<i32>} : memref<16384xf32, #tpu.memory_space<vmem>>, vector<16xf32>,
    }
    %scan3A_113 = arith.constant 64 : i32
    %mul3A_114 = arith.constant 31408 : i32
    %mul3A_115 = arith.muli %arg1, %mul3A_114 : i32
    "tpu.region"() ({
      %run_scoped3A = tpu.sem_alloc : memref<!tpu.dma_semaphore, #tpu.memory_space<semaphore_mem>>
      %dma_start3A = arith.constant 0 : i32
      %dma_start3A_125 = tpu.memref_slice %arg22[%dma_start3A] : memref<31808xf32, #tpu.memory_space<vmem>> -> memref<31408xf32, #tpu.memory_space<vmem>>
      %dma_start3A_126 = tpu.memref_slice %arg23[%mul3A_115] : memref<502528xf32, #tpu.memory_space<vmem_shared>> -> memref<31408xf32, #tpu.memory_space<vmem_shared>>
      %dma_start3A_127 = tpu.memref_slice %arg23[%mul3A_115] : memref<502528xf32, #tpu.memory_space<vmem_shared>> -> memref<31408xf32, #tpu.memory_space<vmem_shared>>
      %dma_start3A_128 = arith.constant 0 : i32
      %dma_start3A_129 = tpu.memref_slice %arg22[%dma_start3A_128] : memref<31808xf32, #tpu.memory_space<vmem>> -> memref<31408xf32, #tpu.memory_space<vmem>>
      tpu.enqueue_dma source(%dma_start3A_129 : memref<31408xf32, #tpu.memory_space<vmem>>) target(%dma_start3A_127 : memref<31408xf32, #tpu.memory_space<vmem_shared>>) target_semaphore(%run_scoped3A : memref<!tpu.dma_semaphore, #tpu.memory_space<semaphore_mem>>)
      %dma_wait3A = arith.constant 0 : i32
      %dma_wait3A_130 = tpu.memref_slice %arg22[%dma_wait3A] : memref<31808xf32, #tpu.memory_space<vmem>> -> memref<31408xf32, #tpu.memory_space<vmem>>
      %dma_wait3A_131 = tpu.memref_slice %arg23[%mul3A_115] : memref<502528xf32, #tpu.memory_space<vmem_shared>> -> memref<31408xf32, #tpu.memory_space<vmem_shared>>
      %dma_wait3A_132 = tpu.memref_slice %arg23[%mul3A_115] : memref<502528xf32, #tpu.memory_space<vmem_shared>> -> memref<31408xf32, #tpu.memory_space<vmem_shared>>
      %dma_wait3A_133 = arith.constant 0 : i32
      %dma_wait3A_134 = tpu.memref_slice %arg22[%dma_wait3A_133] : memref<31808xf32, #tpu.memory_space<vmem>> -> memref<31408xf32, #tpu.memory_space<vmem>>
      tpu.wait_dma2 semaphore(%run_scoped3A : memref<!tpu.dma_semaphore, #tpu.memory_space<semaphore_mem>>) src(%dma_wait3A_134 : memref<31408xf32, #tpu.memory_space<vmem>>) dst(%dma_wait3A_132 : memref<31408xf32, #tpu.memory_space<vmem_shared>>)
      tpu.yield
    }) : () -> ()
    %barrier3A = arith.constant 0 : index
    tpu.barrier barrier_id(%barrier3A)
    "tpu.region"() ({
      %run_scoped3A = tpu.sem_alloc : memref<!tpu.dma_semaphore, #tpu.memory_space<semaphore_mem>>
      %dma_start3A = arith.constant 0 : i32
      %dma_start3A_125 = tpu.memref_slice %arg21[%dma_start3A] : memref<16384xf32, #tpu.memory_space<vmem>> -> memref<1024xf32, #tpu.memory_space<vmem>>
      %dma_start3A_126 = arith.constant 0 : i32
      %dma_start3A_127 = tpu.memref_slice %arg23[%dma_start3A_126] : memref<502528xf32, #tpu.memory_space<vmem_shared>> -> memref<502528xf32, #tpu.memory_space<vmem_shared>>
      tpu.enqueue_indirect_dma source(%dma_start3A_125 : memref<1024xf32, #tpu.memory_space<vmem>>) target(%dma_start3A_127 : memref<502528xf32, #tpu.memory_space<vmem_shared>>) offsets(%arg5 : memref<1024xi32, #tpu.memory_space<vmem>>) semaphore(%run_scoped3A : memref<!tpu.dma_semaphore, #tpu.memory_space<semaphore_mem>>) {add = true}
      %dma_wait3A = arith.constant 0 : i32
      %dma_wait3A_128 = tpu.memref_slice %arg21[%dma_wait3A] : memref<16384xf32, #tpu.memory_space<vmem>> -> memref<1024xf32, #tpu.memory_space<vmem>>
      %dma_wait3A_129 = arith.constant 0 : i32
      %dma_wait3A_130 = tpu.memref_slice %arg23[%dma_wait3A_129] : memref<502528xf32, #tpu.memory_space<vmem_shared>> -> memref<502528xf32, #tpu.memory_space<vmem_shared>>
      tpu.wait_indirect_dma semaphore(%run_scoped3A : memref<!tpu.dma_semaphore, #tpu.memory_space<semaphore_mem>>) src(%dma_wait3A_128 : memref<1024xf32, #tpu.memory_space<vmem>>) dst(%dma_wait3A_130 : memref<502528xf32, #tpu.memory_space<vmem_shared>>)
      tpu.yield
    }) : () -> ()
    "tpu.region"() ({
      %run_scoped3A = tpu.sem_alloc : memref<!tpu.dma_semaphore, #tpu.memory_space<semaphore_mem>>
      %dma_start3A = arith.constant 1024 : i32
      %dma_start3A_125 = tpu.memref_slice %arg21[%dma_start3A] : memref<16384xf32, #tpu.memory_space<vmem>> -> memref<1024xf32, #tpu.memory_space<vmem>>
      %dma_start3A_126 = arith.constant 0 : i32
      %dma_start3A_127 = tpu.memref_slice %arg23[%dma_start3A_126] : memref<502528xf32, #tpu.memory_space<vmem_shared>> -> memref<502528xf32, #tpu.memory_space<vmem_shared>>
      tpu.enqueue_indirect_dma source(%dma_start3A_125 : memref<1024xf32, #tpu.memory_space<vmem>>) target(%dma_start3A_127 : memref<502528xf32, #tpu.memory_space<vmem_shared>>) offsets(%arg6 : memref<1024xi32, #tpu.memory_space<vmem>>) semaphore(%run_scoped3A : memref<!tpu.dma_semaphore, #tpu.memory_space<semaphore_mem>>) {add = true}
      %dma_wait3A = arith.constant 1024 : i32
      %dma_wait3A_128 = tpu.memref_slice %arg21[%dma_wait3A] : memref<16384xf32, #tpu.memory_space<vmem>> -> memref<1024xf32, #tpu.memory_space<vmem>>
      %dma_wait3A_129 = arith.constant 0 : i32
      %dma_wait3A_130 = tpu.memref_slice %arg23[%dma_wait3A_129] : memref<502528xf32, #tpu.memory_space<vmem_shared>> -> memref<502528xf32, #tpu.memory_space<vmem_shared>>
      tpu.wait_indirect_dma semaphore(%run_scoped3A : memref<!tpu.dma_semaphore, #tpu.memory_space<semaphore_mem>>) src(%dma_wait3A_128 : memref<1024xf32, #tpu.memory_space<vmem>>) dst(%dma_wait3A_130 : memref<502528xf32, #tpu.memory_space<vmem_shared>>)
      tpu.yield
    }) : () -> ()
    "tpu.region"() ({
      %run_scoped3A = tpu.sem_alloc : memref<!tpu.dma_semaphore, #tpu.memory_space<semaphore_mem>>
      %dma_start3A = arith.constant 2048 : i32
      %dma_start3A_125 = tpu.memref_slice %arg21[%dma_start3A] : memref<16384xf32, #tpu.memory_space<vmem>> -> memref<1024xf32, #tpu.memory_space<vmem>>
      %dma_start3A_126 = arith.constant 0 : i32
      %dma_start3A_127 = tpu.memref_slice %arg23[%dma_start3A_126] : memref<502528xf32, #tpu.memory_space<vmem_shared>> -> memref<502528xf32, #tpu.memory_space<vmem_shared>>
      tpu.enqueue_indirect_dma source(%dma_start3A_125 : memref<1024xf32, #tpu.memory_space<vmem>>) target(%dma_start3A_127 : memref<502528xf32, #tpu.memory_space<vmem_shared>>) offsets(%arg7 : memref<1024xi32, #tpu.memory_space<vmem>>) semaphore(%run_scoped3A : memref<!tpu.dma_semaphore, #tpu.memory_space<semaphore_mem>>) {add = true}
      %dma_wait3A = arith.constant 2048 : i32
      %dma_wait3A_128 = tpu.memref_slice %arg21[%dma_wait3A] : memref<16384xf32, #tpu.memory_space<vmem>> -> memref<1024xf32, #tpu.memory_space<vmem>>
      %dma_wait3A_129 = arith.constant 0 : i32
      %dma_wait3A_130 = tpu.memref_slice %arg23[%dma_wait3A_129] : memref<502528xf32, #tpu.memory_space<vmem_shared>> -> memref<502528xf32, #tpu.memory_space<vmem_shared>>
      tpu.wait_indirect_dma semaphore(%run_scoped3A : memref<!tpu.dma_semaphore, #tpu.memory_space<semaphore_mem>>) src(%dma_wait3A_128 : memref<1024xf32, #tpu.memory_space<vmem>>) dst(%dma_wait3A_130 : memref<502528xf32, #tpu.memory_space<vmem_shared>>)
      tpu.yield
    }) : () -> ()
    "tpu.region"() ({
      %run_scoped3A = tpu.sem_alloc : memref<!tpu.dma_semaphore, #tpu.memory_space<semaphore_mem>>
      %dma_start3A = arith.constant 3072 : i32
      %dma_start3A_125 = tpu.memref_slice %arg21[%dma_start3A] : memref<16384xf32, #tpu.memory_space<vmem>> -> memref<1024xf32, #tpu.memory_space<vmem>>
      %dma_start3A_126 = arith.constant 0 : i32
      %dma_start3A_127 = tpu.memref_slice %arg23[%dma_start3A_126] : memref<502528xf32, #tpu.memory_space<vmem_shared>> -> memref<502528xf32, #tpu.memory_space<vmem_shared>>
      tpu.enqueue_indirect_dma source(%dma_start3A_125 : memref<1024xf32, #tpu.memory_space<vmem>>) target(%dma_start3A_127 : memref<502528xf32, #tpu.memory_space<vmem_shared>>) offsets(%arg8 : memref<1024xi32, #tpu.memory_space<vmem>>) semaphore(%run_scoped3A : memref<!tpu.dma_semaphore, #tpu.memory_space<semaphore_mem>>) {add = true}
      %dma_wait3A = arith.constant 3072 : i32
      %dma_wait3A_128 = tpu.memref_slice %arg21[%dma_wait3A] : memref<16384xf32, #tpu.memory_space<vmem>> -> memref<1024xf32, #tpu.memory_space<vmem>>
      %dma_wait3A_129 = arith.constant 0 : i32
      %dma_wait3A_130 = tpu.memref_slice %arg23[%dma_wait3A_129] : memref<502528xf32, #tpu.memory_space<vmem_shared>> -> memref<502528xf32, #tpu.memory_space<vmem_shared>>
      tpu.wait_indirect_dma semaphore(%run_scoped3A : memref<!tpu.dma_semaphore, #tpu.memory_space<semaphore_mem>>) src(%dma_wait3A_128 : memref<1024xf32, #tpu.memory_space<vmem>>) dst(%dma_wait3A_130 : memref<502528xf32, #tpu.memory_space<vmem_shared>>)
      tpu.yield
    }) : () -> ()
    "tpu.region"() ({
      %run_scoped3A = tpu.sem_alloc : memref<!tpu.dma_semaphore, #tpu.memory_space<semaphore_mem>>
      %dma_start3A = arith.constant 4096 : i32
      %dma_start3A_125 = tpu.memref_slice %arg21[%dma_start3A] : memref<16384xf32, #tpu.memory_space<vmem>> -> memref<1024xf32, #tpu.memory_space<vmem>>
      %dma_start3A_126 = arith.constant 0 : i32
      %dma_start3A_127 = tpu.memref_slice %arg23[%dma_start3A_126] : memref<502528xf32, #tpu.memory_space<vmem_shared>> -> memref<502528xf32, #tpu.memory_space<vmem_shared>>
      tpu.enqueue_indirect_dma source(%dma_start3A_125 : memref<1024xf32, #tpu.memory_space<vmem>>) target(%dma_start3A_127 : memref<502528xf32, #tpu.memory_space<vmem_shared>>) offsets(%arg9 : memref<1024xi32, #tpu.memory_space<vmem>>) semaphore(%run_scoped3A : memref<!tpu.dma_semaphore, #tpu.memory_space<semaphore_mem>>) {add = true}
      %dma_wait3A = arith.constant 4096 : i32
      %dma_wait3A_128 = tpu.memref_slice %arg21[%dma_wait3A] : memref<16384xf32, #tpu.memory_space<vmem>> -> memref<1024xf32, #tpu.memory_space<vmem>>
      %dma_wait3A_129 = arith.constant 0 : i32
      %dma_wait3A_130 = tpu.memref_slice %arg23[%dma_wait3A_129] : memref<502528xf32, #tpu.memory_space<vmem_shared>> -> memref<502528xf32, #tpu.memory_space<vmem_shared>>
      tpu.wait_indirect_dma semaphore(%run_scoped3A : memref<!tpu.dma_semaphore, #tpu.memory_space<semaphore_mem>>) src(%dma_wait3A_128 : memref<1024xf32, #tpu.memory_space<vmem>>) dst(%dma_wait3A_130 : memref<502528xf32, #tpu.memory_space<vmem_shared>>)
      tpu.yield
    }) : () -> ()
    "tpu.region"() ({
      %run_scoped3A = tpu.sem_alloc : memref<!tpu.dma_semaphore, #tpu.memory_space<semaphore_mem>>
      %dma_start3A = arith.constant 5120 : i32
      %dma_start3A_125 = tpu.memref_slice %arg21[%dma_start3A] : memref<16384xf32, #tpu.memory_space<vmem>> -> memref<1024xf32, #tpu.memory_space<vmem>>
      %dma_start3A_126 = arith.constant 0 : i32
      %dma_start3A_127 = tpu.memref_slice %arg23[%dma_start3A_126] : memref<502528xf32, #tpu.memory_space<vmem_shared>> -> memref<502528xf32, #tpu.memory_space<vmem_shared>>
      tpu.enqueue_indirect_dma source(%dma_start3A_125 : memref<1024xf32, #tpu.memory_space<vmem>>) target(%dma_start3A_127 : memref<502528xf32, #tpu.memory_space<vmem_shared>>) offsets(%arg10 : memref<1024xi32, #tpu.memory_space<vmem>>) semaphore(%run_scoped3A : memref<!tpu.dma_semaphore, #tpu.memory_space<semaphore_mem>>) {add = true}
      %dma_wait3A = arith.constant 5120 : i32
      %dma_wait3A_128 = tpu.memref_slice %arg21[%dma_wait3A] : memref<16384xf32, #tpu.memory_space<vmem>> -> memref<1024xf32, #tpu.memory_space<vmem>>
      %dma_wait3A_129 = arith.constant 0 : i32
      %dma_wait3A_130 = tpu.memref_slice %arg23[%dma_wait3A_129] : memref<502528xf32, #tpu.memory_space<vmem_shared>> -> memref<502528xf32, #tpu.memory_space<vmem_shared>>
      tpu.wait_indirect_dma semaphore(%run_scoped3A : memref<!tpu.dma_semaphore, #tpu.memory_space<semaphore_mem>>) src(%dma_wait3A_128 : memref<1024xf32, #tpu.memory_space<vmem>>) dst(%dma_wait3A_130 : memref<502528xf32, #tpu.memory_space<vmem_shared>>)
      tpu.yield
    }) : () -> ()
    "tpu.region"() ({
      %run_scoped3A = tpu.sem_alloc : memref<!tpu.dma_semaphore, #tpu.memory_space<semaphore_mem>>
      %dma_start3A = arith.constant 6144 : i32
      %dma_start3A_125 = tpu.memref_slice %arg21[%dma_start3A] : memref<16384xf32, #tpu.memory_space<vmem>> -> memref<1024xf32, #tpu.memory_space<vmem>>
      %dma_start3A_126 = arith.constant 0 : i32
      %dma_start3A_127 = tpu.memref_slice %arg23[%dma_start3A_126] : memref<502528xf32, #tpu.memory_space<vmem_shared>> -> memref<502528xf32, #tpu.memory_space<vmem_shared>>
      tpu.enqueue_indirect_dma source(%dma_start3A_125 : memref<1024xf32, #tpu.memory_space<vmem>>) target(%dma_start3A_127 : memref<502528xf32, #tpu.memory_space<vmem_shared>>) offsets(%arg11 : memref<1024xi32, #tpu.memory_space<vmem>>) semaphore(%run_scoped3A : memref<!tpu.dma_semaphore, #tpu.memory_space<semaphore_mem>>) {add = true}
      %dma_wait3A = arith.constant 6144 : i32
      %dma_wait3A_128 = tpu.memref_slice %arg21[%dma_wait3A] : memref<16384xf32, #tpu.memory_space<vmem>> -> memref<1024xf32, #tpu.memory_space<vmem>>
      %dma_wait3A_129 = arith.constant 0 : i32
      %dma_wait3A_130 = tpu.memref_slice %arg23[%dma_wait3A_129] : memref<502528xf32, #tpu.memory_space<vmem_shared>> -> memref<502528xf32, #tpu.memory_space<vmem_shared>>
      tpu.wait_indirect_dma semaphore(%run_scoped3A : memref<!tpu.dma_semaphore, #tpu.memory_space<semaphore_mem>>) src(%dma_wait3A_128 : memref<1024xf32, #tpu.memory_space<vmem>>) dst(%dma_wait3A_130 : memref<502528xf32, #tpu.memory_space<vmem_shared>>)
      tpu.yield
    }) : () -> ()
    "tpu.region"() ({
      %run_scoped3A = tpu.sem_alloc : memref<!tpu.dma_semaphore, #tpu.memory_space<semaphore_mem>>
      %dma_start3A = arith.constant 7168 : i32
      %dma_start3A_125 = tpu.memref_slice %arg21[%dma_start3A] : memref<16384xf32, #tpu.memory_space<vmem>> -> memref<1024xf32, #tpu.memory_space<vmem>>
      %dma_start3A_126 = arith.constant 0 : i32
      %dma_start3A_127 = tpu.memref_slice %arg23[%dma_start3A_126] : memref<502528xf32, #tpu.memory_space<vmem_shared>> -> memref<502528xf32, #tpu.memory_space<vmem_shared>>
      tpu.enqueue_indirect_dma source(%dma_start3A_125 : memref<1024xf32, #tpu.memory_space<vmem>>) target(%dma_start3A_127 : memref<502528xf32, #tpu.memory_space<vmem_shared>>) offsets(%arg12 : memref<1024xi32, #tpu.memory_space<vmem>>) semaphore(%run_scoped3A : memref<!tpu.dma_semaphore, #tpu.memory_space<semaphore_mem>>) {add = true}
      %dma_wait3A = arith.constant 7168 : i32
      %dma_wait3A_128 = tpu.memref_slice %arg21[%dma_wait3A] : memref<16384xf32, #tpu.memory_space<vmem>> -> memref<1024xf32, #tpu.memory_space<vmem>>
      %dma_wait3A_129 = arith.constant 0 : i32
      %dma_wait3A_130 = tpu.memref_slice %arg23[%dma_wait3A_129] : memref<502528xf32, #tpu.memory_space<vmem_shared>> -> memref<502528xf32, #tpu.memory_space<vmem_shared>>
      tpu.wait_indirect_dma semaphore(%run_scoped3A : memref<!tpu.dma_semaphore, #tpu.memory_space<semaphore_mem>>) src(%dma_wait3A_128 : memref<1024xf32, #tpu.memory_space<vmem>>) dst(%dma_wait3A_130 : memref<502528xf32, #tpu.memory_space<vmem_shared>>)
      tpu.yield
    }) : () -> ()
    "tpu.region"() ({
      %run_scoped3A = tpu.sem_alloc : memref<!tpu.dma_semaphore, #tpu.memory_space<semaphore_mem>>
      %dma_start3A = arith.constant 8192 : i32
      %dma_start3A_125 = tpu.memref_slice %arg21[%dma_start3A] : memref<16384xf32, #tpu.memory_space<vmem>> -> memref<1024xf32, #tpu.memory_space<vmem>>
      %dma_start3A_126 = arith.constant 0 : i32
      %dma_start3A_127 = tpu.memref_slice %arg23[%dma_start3A_126] : memref<502528xf32, #tpu.memory_space<vmem_shared>> -> memref<502528xf32, #tpu.memory_space<vmem_shared>>
      tpu.enqueue_indirect_dma source(%dma_start3A_125 : memref<1024xf32, #tpu.memory_space<vmem>>) target(%dma_start3A_127 : memref<502528xf32, #tpu.memory_space<vmem_shared>>) offsets(%arg13 : memref<1024xi32, #tpu.memory_space<vmem>>) semaphore(%run_scoped3A : memref<!tpu.dma_semaphore, #tpu.memory_space<semaphore_mem>>) {add = true}
      %dma_wait3A = arith.constant 8192 : i32
      %dma_wait3A_128 = tpu.memref_slice %arg21[%dma_wait3A] : memref<16384xf32, #tpu.memory_space<vmem>> -> memref<1024xf32, #tpu.memory_space<vmem>>
      %dma_wait3A_129 = arith.constant 0 : i32
      %dma_wait3A_130 = tpu.memref_slice %arg23[%dma_wait3A_129] : memref<502528xf32, #tpu.memory_space<vmem_shared>> -> memref<502528xf32, #tpu.memory_space<vmem_shared>>
      tpu.wait_indirect_dma semaphore(%run_scoped3A : memref<!tpu.dma_semaphore, #tpu.memory_space<semaphore_mem>>) src(%dma_wait3A_128 : memref<1024xf32, #tpu.memory_space<vmem>>) dst(%dma_wait3A_130 : memref<502528xf32, #tpu.memory_space<vmem_shared>>)
      tpu.yield
    }) : () -> ()
    "tpu.region"() ({
      %run_scoped3A = tpu.sem_alloc : memref<!tpu.dma_semaphore, #tpu.memory_space<semaphore_mem>>
      %dma_start3A = arith.constant 9216 : i32
      %dma_start3A_125 = tpu.memref_slice %arg21[%dma_start3A] : memref<16384xf32, #tpu.memory_space<vmem>> -> memref<1024xf32, #tpu.memory_space<vmem>>
      %dma_start3A_126 = arith.constant 0 : i32
      %dma_start3A_127 = tpu.memref_slice %arg23[%dma_start3A_126] : memref<502528xf32, #tpu.memory_space<vmem_shared>> -> memref<502528xf32, #tpu.memory_space<vmem_shared>>
      tpu.enqueue_indirect_dma source(%dma_start3A_125 : memref<1024xf32, #tpu.memory_space<vmem>>) target(%dma_start3A_127 : memref<502528xf32, #tpu.memory_space<vmem_shared>>) offsets(%arg14 : memref<1024xi32, #tpu.memory_space<vmem>>) semaphore(%run_scoped3A : memref<!tpu.dma_semaphore, #tpu.memory_space<semaphore_mem>>) {add = true}
      %dma_wait3A = arith.constant 9216 : i32
      %dma_wait3A_128 = tpu.memref_slice %arg21[%dma_wait3A] : memref<16384xf32, #tpu.memory_space<vmem>> -> memref<1024xf32, #tpu.memory_space<vmem>>
      %dma_wait3A_129 = arith.constant 0 : i32
      %dma_wait3A_130 = tpu.memref_slice %arg23[%dma_wait3A_129] : memref<502528xf32, #tpu.memory_space<vmem_shared>> -> memref<502528xf32, #tpu.memory_space<vmem_shared>>
      tpu.wait_indirect_dma semaphore(%run_scoped3A : memref<!tpu.dma_semaphore, #tpu.memory_space<semaphore_mem>>) src(%dma_wait3A_128 : memref<1024xf32, #tpu.memory_space<vmem>>) dst(%dma_wait3A_130 : memref<502528xf32, #tpu.memory_space<vmem_shared>>)
      tpu.yield
    }) : () -> ()
    "tpu.region"() ({
      %run_scoped3A = tpu.sem_alloc : memref<!tpu.dma_semaphore, #tpu.memory_space<semaphore_mem>>
      %dma_start3A = arith.constant 10240 : i32
      %dma_start3A_125 = tpu.memref_slice %arg21[%dma_start3A] : memref<16384xf32, #tpu.memory_space<vmem>> -> memref<1024xf32, #tpu.memory_space<vmem>>
      %dma_start3A_126 = arith.constant 0 : i32
      %dma_start3A_127 = tpu.memref_slice %arg23[%dma_start3A_126] : memref<502528xf32, #tpu.memory_space<vmem_shared>> -> memref<502528xf32, #tpu.memory_space<vmem_shared>>
      tpu.enqueue_indirect_dma source(%dma_start3A_125 : memref<1024xf32, #tpu.memory_space<vmem>>) target(%dma_start3A_127 : memref<502528xf32, #tpu.memory_space<vmem_shared>>) offsets(%arg15 : memref<1024xi32, #tpu.memory_space<vmem>>) semaphore(%run_scoped3A : memref<!tpu.dma_semaphore, #tpu.memory_space<semaphore_mem>>) {add = true}
      %dma_wait3A = arith.constant 10240 : i32
      %dma_wait3A_128 = tpu.memref_slice %arg21[%dma_wait3A] : memref<16384xf32, #tpu.memory_space<vmem>> -> memref<1024xf32, #tpu.memory_space<vmem>>
      %dma_wait3A_129 = arith.constant 0 : i32
      %dma_wait3A_130 = tpu.memref_slice %arg23[%dma_wait3A_129] : memref<502528xf32, #tpu.memory_space<vmem_shared>> -> memref<502528xf32, #tpu.memory_space<vmem_shared>>
      tpu.wait_indirect_dma semaphore(%run_scoped3A : memref<!tpu.dma_semaphore, #tpu.memory_space<semaphore_mem>>) src(%dma_wait3A_128 : memref<1024xf32, #tpu.memory_space<vmem>>) dst(%dma_wait3A_130 : memref<502528xf32, #tpu.memory_space<vmem_shared>>)
      tpu.yield
    }) : () -> ()
    "tpu.region"() ({
      %run_scoped3A = tpu.sem_alloc : memref<!tpu.dma_semaphore, #tpu.memory_space<semaphore_mem>>
      %dma_start3A = arith.constant 11264 : i32
      %dma_start3A_125 = tpu.memref_slice %arg21[%dma_start3A] : memref<16384xf32, #tpu.memory_space<vmem>> -> memref<1024xf32, #tpu.memory_space<vmem>>
      %dma_start3A_126 = arith.constant 0 : i32
      %dma_start3A_127 = tpu.memref_slice %arg23[%dma_start3A_126] : memref<502528xf32, #tpu.memory_space<vmem_shared>> -> memref<502528xf32, #tpu.memory_space<vmem_shared>>
      tpu.enqueue_indirect_dma source(%dma_start3A_125 : memref<1024xf32, #tpu.memory_space<vmem>>) target(%dma_start3A_127 : memref<502528xf32, #tpu.memory_space<vmem_shared>>) offsets(%arg16 : memref<1024xi32, #tpu.memory_space<vmem>>) semaphore(%run_scoped3A : memref<!tpu.dma_semaphore, #tpu.memory_space<semaphore_mem>>) {add = true}
      %dma_wait3A = arith.constant 11264 : i32
      %dma_wait3A_128 = tpu.memref_slice %arg21[%dma_wait3A] : memref<16384xf32, #tpu.memory_space<vmem>> -> memref<1024xf32, #tpu.memory_space<vmem>>
      %dma_wait3A_129 = arith.constant 0 : i32
      %dma_wait3A_130 = tpu.memref_slice %arg23[%dma_wait3A_129] : memref<502528xf32, #tpu.memory_space<vmem_shared>> -> memref<502528xf32, #tpu.memory_space<vmem_shared>>
      tpu.wait_indirect_dma semaphore(%run_scoped3A : memref<!tpu.dma_semaphore, #tpu.memory_space<semaphore_mem>>) src(%dma_wait3A_128 : memref<1024xf32, #tpu.memory_space<vmem>>) dst(%dma_wait3A_130 : memref<502528xf32, #tpu.memory_space<vmem_shared>>)
      tpu.yield
    }) : () -> ()
    "tpu.region"() ({
      %run_scoped3A = tpu.sem_alloc : memref<!tpu.dma_semaphore, #tpu.memory_space<semaphore_mem>>
      %dma_start3A = arith.constant 12288 : i32
      %dma_start3A_125 = tpu.memref_slice %arg21[%dma_start3A] : memref<16384xf32, #tpu.memory_space<vmem>> -> memref<1024xf32, #tpu.memory_space<vmem>>
      %dma_start3A_126 = arith.constant 0 : i32
      %dma_start3A_127 = tpu.memref_slice %arg23[%dma_start3A_126] : memref<502528xf32, #tpu.memory_space<vmem_shared>> -> memref<502528xf32, #tpu.memory_space<vmem_shared>>
      tpu.enqueue_indirect_dma source(%dma_start3A_125 : memref<1024xf32, #tpu.memory_space<vmem>>) target(%dma_start3A_127 : memref<502528xf32, #tpu.memory_space<vmem_shared>>) offsets(%arg17 : memref<1024xi32, #tpu.memory_space<vmem>>) semaphore(%run_scoped3A : memref<!tpu.dma_semaphore, #tpu.memory_space<semaphore_mem>>) {add = true}
      %dma_wait3A = arith.constant 12288 : i32
      %dma_wait3A_128 = tpu.memref_slice %arg21[%dma_wait3A] : memref<16384xf32, #tpu.memory_space<vmem>> -> memref<1024xf32, #tpu.memory_space<vmem>>
      %dma_wait3A_129 = arith.constant 0 : i32
      %dma_wait3A_130 = tpu.memref_slice %arg23[%dma_wait3A_129] : memref<502528xf32, #tpu.memory_space<vmem_shared>> -> memref<502528xf32, #tpu.memory_space<vmem_shared>>
      tpu.wait_indirect_dma semaphore(%run_scoped3A : memref<!tpu.dma_semaphore, #tpu.memory_space<semaphore_mem>>) src(%dma_wait3A_128 : memref<1024xf32, #tpu.memory_space<vmem>>) dst(%dma_wait3A_130 : memref<502528xf32, #tpu.memory_space<vmem_shared>>)
      tpu.yield
    }) : () -> ()
    "tpu.region"() ({
      %run_scoped3A = tpu.sem_alloc : memref<!tpu.dma_semaphore, #tpu.memory_space<semaphore_mem>>
      %dma_start3A = arith.constant 13312 : i32
      %dma_start3A_125 = tpu.memref_slice %arg21[%dma_start3A] : memref<16384xf32, #tpu.memory_space<vmem>> -> memref<1024xf32, #tpu.memory_space<vmem>>
      %dma_start3A_126 = arith.constant 0 : i32
      %dma_start3A_127 = tpu.memref_slice %arg23[%dma_start3A_126] : memref<502528xf32, #tpu.memory_space<vmem_shared>> -> memref<502528xf32, #tpu.memory_space<vmem_shared>>
      tpu.enqueue_indirect_dma source(%dma_start3A_125 : memref<1024xf32, #tpu.memory_space<vmem>>) target(%dma_start3A_127 : memref<502528xf32, #tpu.memory_space<vmem_shared>>) offsets(%arg18 : memref<1024xi32, #tpu.memory_space<vmem>>) semaphore(%run_scoped3A : memref<!tpu.dma_semaphore, #tpu.memory_space<semaphore_mem>>) {add = true}
      %dma_wait3A = arith.constant 13312 : i32
      %dma_wait3A_128 = tpu.memref_slice %arg21[%dma_wait3A] : memref<16384xf32, #tpu.memory_space<vmem>> -> memref<1024xf32, #tpu.memory_space<vmem>>
      %dma_wait3A_129 = arith.constant 0 : i32
      %dma_wait3A_130 = tpu.memref_slice %arg23[%dma_wait3A_129] : memref<502528xf32, #tpu.memory_space<vmem_shared>> -> memref<502528xf32, #tpu.memory_space<vmem_shared>>
      tpu.wait_indirect_dma semaphore(%run_scoped3A : memref<!tpu.dma_semaphore, #tpu.memory_space<semaphore_mem>>) src(%dma_wait3A_128 : memref<1024xf32, #tpu.memory_space<vmem>>) dst(%dma_wait3A_130 : memref<502528xf32, #tpu.memory_space<vmem_shared>>)
      tpu.yield
    }) : () -> ()
    "tpu.region"() ({
      %run_scoped3A = tpu.sem_alloc : memref<!tpu.dma_semaphore, #tpu.memory_space<semaphore_mem>>
      %dma_start3A = arith.constant 14336 : i32
      %dma_start3A_125 = tpu.memref_slice %arg21[%dma_start3A] : memref<16384xf32, #tpu.memory_space<vmem>> -> memref<1024xf32, #tpu.memory_space<vmem>>
      %dma_start3A_126 = arith.constant 0 : i32
      %dma_start3A_127 = tpu.memref_slice %arg23[%dma_start3A_126] : memref<502528xf32, #tpu.memory_space<vmem_shared>> -> memref<502528xf32, #tpu.memory_space<vmem_shared>>
      tpu.enqueue_indirect_dma source(%dma_start3A_125 : memref<1024xf32, #tpu.memory_space<vmem>>) target(%dma_start3A_127 : memref<502528xf32, #tpu.memory_space<vmem_shared>>) offsets(%arg19 : memref<1024xi32, #tpu.memory_space<vmem>>) semaphore(%run_scoped3A : memref<!tpu.dma_semaphore, #tpu.memory_space<semaphore_mem>>) {add = true}
      %dma_wait3A = arith.constant 14336 : i32
      %dma_wait3A_128 = tpu.memref_slice %arg21[%dma_wait3A] : memref<16384xf32, #tpu.memory_space<vmem>> -> memref<1024xf32, #tpu.memory_space<vmem>>
      %dma_wait3A_129 = arith.constant 0 : i32
      %dma_wait3A_130 = tpu.memref_slice %arg23[%dma_wait3A_129] : memref<502528xf32, #tpu.memory_space<vmem_shared>> -> memref<502528xf32, #tpu.memory_space<vmem_shared>>
      tpu.wait_indirect_dma semaphore(%run_scoped3A : memref<!tpu.dma_semaphore, #tpu.memory_space<semaphore_mem>>) src(%dma_wait3A_128 : memref<1024xf32, #tpu.memory_space<vmem>>) dst(%dma_wait3A_130 : memref<502528xf32, #tpu.memory_space<vmem_shared>>)
      tpu.yield
    }) : () -> ()
    "tpu.region"() ({
      %run_scoped3A = tpu.sem_alloc : memref<!tpu.dma_semaphore, #tpu.memory_space<semaphore_mem>>
      %dma_start3A = arith.constant 15360 : i32
      %dma_start3A_125 = tpu.memref_slice %arg21[%dma_start3A] : memref<16384xf32, #tpu.memory_space<vmem>> -> memref<1024xf32, #tpu.memory_space<vmem>>
      %dma_start3A_126 = arith.constant 0 : i32
      %dma_start3A_127 = tpu.memref_slice %arg23[%dma_start3A_126] : memref<502528xf32, #tpu.memory_space<vmem_shared>> -> memref<502528xf32, #tpu.memory_space<vmem_shared>>
      tpu.enqueue_indirect_dma source(%dma_start3A_125 : memref<1024xf32, #tpu.memory_space<vmem>>) target(%dma_start3A_127 : memref<502528xf32, #tpu.memory_space<vmem_shared>>) offsets(%arg20 : memref<1024xi32, #tpu.memory_space<vmem>>) semaphore(%run_scoped3A : memref<!tpu.dma_semaphore, #tpu.memory_space<semaphore_mem>>) {add = true}
      %dma_wait3A = arith.constant 15360 : i32
      %dma_wait3A_128 = tpu.memref_slice %arg21[%dma_wait3A] : memref<16384xf32, #tpu.memory_space<vmem>> -> memref<1024xf32, #tpu.memory_space<vmem>>
      %dma_wait3A_129 = arith.constant 0 : i32
      %dma_wait3A_130 = tpu.memref_slice %arg23[%dma_wait3A_129] : memref<502528xf32, #tpu.memory_space<vmem_shared>> -> memref<502528xf32, #tpu.memory_space<vmem_shared>>
      tpu.wait_indirect_dma semaphore(%run_scoped3A : memref<!tpu.dma_semaphore, #tpu.memory_space<semaphore_mem>>) src(%dma_wait3A_128 : memref<1024xf32, #tpu.memory_space<vmem>>) dst(%dma_wait3A_130 : memref<502528xf32, #tpu.memory_space<vmem_shared>>)
      tpu.yield
    }) : () -> ()
    %barrier3A_116 = arith.constant 0 : index
    tpu.barrier barrier_id(%barrier3A_116)
    %sub3A = arith.subi %mul3A_2, %mul3A_4 : i32
    %lt3A = arith.constant 31 : i32
    %lt3A_117 = arith.cmpi slt, %add3A, %lt3A : i32
    %convert_element_type3A_118 = arith.extui %lt3A_117 : i1 to i32
    %cond3A = arith.constant 0 : i32
    %cond3A_119 = arith.cmpi ne, %convert_element_type3A_118, %cond3A : i32
    scf.if %cond3A_119 {
      "tpu.region"() ({
        %run_scoped3A = tpu.sem_alloc : memref<!tpu.dma_semaphore, #tpu.memory_space<semaphore_mem>>
        %dma_start3A = arith.constant 0 : i32
        %dma_start3A_125 = tpu.memref_slice %arg22[%dma_start3A] : memref<31808xf32, #tpu.memory_space<vmem>> -> memref<31232xf32, #tpu.memory_space<vmem>>
        %dma_start3A_126 = tpu.memref_slice %arg23[%sub3A] : memref<502528xf32, #tpu.memory_space<vmem_shared>> -> memref<31232xf32, #tpu.memory_space<vmem_shared>>
        %dma_start3A_127 = arith.constant 0 : i32
        %dma_start3A_128 = tpu.memref_slice %arg22[%dma_start3A_127] : memref<31808xf32, #tpu.memory_space<vmem>> -> memref<31232xf32, #tpu.memory_space<vmem>>
        %dma_start3A_129 = tpu.memref_slice %arg23[%sub3A] : memref<502528xf32, #tpu.memory_space<vmem_shared>> -> memref<31232xf32, #tpu.memory_space<vmem_shared>>
        tpu.enqueue_dma source(%dma_start3A_129 : memref<31232xf32, #tpu.memory_space<vmem_shared>>) target(%dma_start3A_128 : memref<31232xf32, #tpu.memory_space<vmem>>) target_semaphore(%run_scoped3A : memref<!tpu.dma_semaphore, #tpu.memory_space<semaphore_mem>>)
        %dma_wait3A = arith.constant 0 : i32
        %dma_wait3A_130 = tpu.memref_slice %arg22[%dma_wait3A] : memref<31808xf32, #tpu.memory_space<vmem>> -> memref<31232xf32, #tpu.memory_space<vmem>>
        %dma_wait3A_131 = tpu.memref_slice %arg23[%sub3A] : memref<502528xf32, #tpu.memory_space<vmem_shared>> -> memref<31232xf32, #tpu.memory_space<vmem_shared>>
        %dma_wait3A_132 = arith.constant 0 : i32
        %dma_wait3A_133 = tpu.memref_slice %arg22[%dma_wait3A_132] : memref<31808xf32, #tpu.memory_space<vmem>> -> memref<31232xf32, #tpu.memory_space<vmem>>
        %dma_wait3A_134 = tpu.memref_slice %arg23[%sub3A] : memref<502528xf32, #tpu.memory_space<vmem_shared>> -> memref<31232xf32, #tpu.memory_space<vmem_shared>>
        tpu.wait_dma2 semaphore(%run_scoped3A : memref<!tpu.dma_semaphore, #tpu.memory_space<semaphore_mem>>) src(%dma_wait3A_134 : memref<31232xf32, #tpu.memory_space<vmem_shared>>) dst(%dma_wait3A_133 : memref<31232xf32, #tpu.memory_space<vmem>>)
        tpu.yield
      }) : () -> ()
      "tpu.region"() ({
        %run_scoped3A = tpu.sem_alloc : memref<!tpu.dma_semaphore, #tpu.memory_space<semaphore_mem>>
        %dma_start3A = arith.constant 0 : i32
        %dma_start3A_125 = tpu.memref_slice %arg22[%dma_start3A] : memref<31808xf32, #tpu.memory_space<vmem>> -> memref<31232xf32, #tpu.memory_space<vmem>>
        %dma_start3A_126 = tpu.memref_slice %arg3[%mul3A_2] : memref<1000000xf32, #tpu.memory_space<hbm>> -> memref<31232xf32, #tpu.memory_space<hbm>>
        %dma_start3A_127 = tpu.memref_slice %arg3[%mul3A_2] : memref<1000000xf32, #tpu.memory_space<hbm>> -> memref<31232xf32, #tpu.memory_space<hbm>>
        %dma_start3A_128 = arith.constant 0 : i32
        %dma_start3A_129 = tpu.memref_slice %arg22[%dma_start3A_128] : memref<31808xf32, #tpu.memory_space<vmem>> -> memref<31232xf32, #tpu.memory_space<vmem>>
        tpu.enqueue_dma source(%dma_start3A_129 : memref<31232xf32, #tpu.memory_space<vmem>>) target(%dma_start3A_127 : memref<31232xf32, #tpu.memory_space<hbm>>) target_semaphore(%run_scoped3A : memref<!tpu.dma_semaphore, #tpu.memory_space<semaphore_mem>>)
        %dma_wait3A = arith.constant 0 : i32
        %dma_wait3A_130 = tpu.memref_slice %arg22[%dma_wait3A] : memref<31808xf32, #tpu.memory_space<vmem>> -> memref<31232xf32, #tpu.memory_space<vmem>>
        %dma_wait3A_131 = tpu.memref_slice %arg3[%mul3A_2] : memref<1000000xf32, #tpu.memory_space<hbm>> -> memref<31232xf32, #tpu.memory_space<hbm>>
        %dma_wait3A_132 = tpu.memref_slice %arg3[%mul3A_2] : memref<1000000xf32, #tpu.memory_space<hbm>> -> memref<31232xf32, #tpu.memory_space<hbm>>
        %dma_wait3A_133 = arith.constant 0 : i32
        %dma_wait3A_134 = tpu.memref_slice %arg22[%dma_wait3A_133] : memref<31808xf32, #tpu.memory_space<vmem>> -> memref<31232xf32, #tpu.memory_space<vmem>>
        tpu.wait_dma2 semaphore(%run_scoped3A : memref<!tpu.dma_semaphore, #tpu.memory_space<semaphore_mem>>) src(%dma_wait3A_134 : memref<31232xf32, #tpu.memory_space<vmem>>) dst(%dma_wait3A_132 : memref<31232xf32, #tpu.memory_space<hbm>>)
        tpu.yield
      }) : () -> ()
    } else {
    }
    %eq3A_120 = arith.constant 31 : i32
    %eq3A_121 = arith.cmpi eq, %add3A, %eq3A_120 : i32
    %convert_element_type3A_122 = arith.extui %eq3A_121 : i1 to i32
    %cond3A_123 = arith.constant 0 : i32
    %cond3A_124 = arith.cmpi ne, %convert_element_type3A_122, %cond3A_123 : i32
    scf.if %cond3A_124 {
      "tpu.region"() ({
        %run_scoped3A = tpu.sem_alloc : memref<!tpu.dma_semaphore, #tpu.memory_space<semaphore_mem>>
        %dma_start3A = arith.constant 0 : i32
        %dma_start3A_125 = tpu.memref_slice %arg22[%dma_start3A] : memref<31808xf32, #tpu.memory_space<vmem>> -> memref<31808xf32, #tpu.memory_space<vmem>>
        %dma_start3A_126 = tpu.memref_slice %arg23[%sub3A] : memref<502528xf32, #tpu.memory_space<vmem_shared>> -> memref<31808xf32, #tpu.memory_space<vmem_shared>>
        %dma_start3A_127 = arith.constant 0 : i32
        %dma_start3A_128 = tpu.memref_slice %arg22[%dma_start3A_127] : memref<31808xf32, #tpu.memory_space<vmem>> -> memref<31808xf32, #tpu.memory_space<vmem>>
        %dma_start3A_129 = tpu.memref_slice %arg23[%sub3A] : memref<502528xf32, #tpu.memory_space<vmem_shared>> -> memref<31808xf32, #tpu.memory_space<vmem_shared>>
        tpu.enqueue_dma source(%dma_start3A_129 : memref<31808xf32, #tpu.memory_space<vmem_shared>>) target(%dma_start3A_128 : memref<31808xf32, #tpu.memory_space<vmem>>) target_semaphore(%run_scoped3A : memref<!tpu.dma_semaphore, #tpu.memory_space<semaphore_mem>>)
        %dma_wait3A = arith.constant 0 : i32
        %dma_wait3A_130 = tpu.memref_slice %arg22[%dma_wait3A] : memref<31808xf32, #tpu.memory_space<vmem>> -> memref<31808xf32, #tpu.memory_space<vmem>>
        %dma_wait3A_131 = tpu.memref_slice %arg23[%sub3A] : memref<502528xf32, #tpu.memory_space<vmem_shared>> -> memref<31808xf32, #tpu.memory_space<vmem_shared>>
        %dma_wait3A_132 = arith.constant 0 : i32
        %dma_wait3A_133 = tpu.memref_slice %arg22[%dma_wait3A_132] : memref<31808xf32, #tpu.memory_space<vmem>> -> memref<31808xf32, #tpu.memory_space<vmem>>
        %dma_wait3A_134 = tpu.memref_slice %arg23[%sub3A] : memref<502528xf32, #tpu.memory_space<vmem_shared>> -> memref<31808xf32, #tpu.memory_space<vmem_shared>>
        tpu.wait_dma2 semaphore(%run_scoped3A : memref<!tpu.dma_semaphore, #tpu.memory_space<semaphore_mem>>) src(%dma_wait3A_134 : memref<31808xf32, #tpu.memory_space<vmem_shared>>) dst(%dma_wait3A_133 : memref<31808xf32, #tpu.memory_space<vmem>>)
        tpu.yield
      }) : () -> ()
      "tpu.region"() ({
        %run_scoped3A = tpu.sem_alloc : memref<!tpu.dma_semaphore, #tpu.memory_space<semaphore_mem>>
        %dma_start3A = arith.constant 0 : i32
        %dma_start3A_125 = tpu.memref_slice %arg22[%dma_start3A] : memref<31808xf32, #tpu.memory_space<vmem>> -> memref<31808xf32, #tpu.memory_space<vmem>>
        %dma_start3A_126 = arith.constant 968192 : i32
        %dma_start3A_127 = tpu.memref_slice %arg3[%dma_start3A_126] : memref<1000000xf32, #tpu.memory_space<hbm>> -> memref<31808xf32, #tpu.memory_space<hbm>>
        %dma_start3A_128 = arith.constant 968192 : i32
        %dma_start3A_129 = tpu.memref_slice %arg3[%dma_start3A_128] : memref<1000000xf32, #tpu.memory_space<hbm>> -> memref<31808xf32, #tpu.memory_space<hbm>>
        %dma_start3A_130 = arith.constant 0 : i32
        %dma_start3A_131 = tpu.memref_slice %arg22[%dma_start3A_130] : memref<31808xf32, #tpu.memory_space<vmem>> -> memref<31808xf32, #tpu.memory_space<vmem>>
        tpu.enqueue_dma source(%dma_start3A_131 : memref<31808xf32, #tpu.memory_space<vmem>>) target(%dma_start3A_129 : memref<31808xf32, #tpu.memory_space<hbm>>) target_semaphore(%run_scoped3A : memref<!tpu.dma_semaphore, #tpu.memory_space<semaphore_mem>>)
        %dma_wait3A = arith.constant 0 : i32
        %dma_wait3A_132 = tpu.memref_slice %arg22[%dma_wait3A] : memref<31808xf32, #tpu.memory_space<vmem>> -> memref<31808xf32, #tpu.memory_space<vmem>>
        %dma_wait3A_133 = arith.constant 968192 : i32
        %dma_wait3A_134 = tpu.memref_slice %arg3[%dma_wait3A_133] : memref<1000000xf32, #tpu.memory_space<hbm>> -> memref<31808xf32, #tpu.memory_space<hbm>>
        %dma_wait3A_135 = arith.constant 968192 : i32
        %dma_wait3A_136 = tpu.memref_slice %arg3[%dma_wait3A_135] : memref<1000000xf32, #tpu.memory_space<hbm>> -> memref<31808xf32, #tpu.memory_space<hbm>>
        %dma_wait3A_137 = arith.constant 0 : i32
        %dma_wait3A_138 = tpu.memref_slice %arg22[%dma_wait3A_137] : memref<31808xf32, #tpu.memory_space<vmem>> -> memref<31808xf32, #tpu.memory_space<vmem>>
        tpu.wait_dma2 semaphore(%run_scoped3A : memref<!tpu.dma_semaphore, #tpu.memory_space<semaphore_mem>>) src(%dma_wait3A_138 : memref<31808xf32, #tpu.memory_space<vmem>>) dst(%dma_wait3A_136 : memref<31808xf32, #tpu.memory_space<hbm>>)
        tpu.yield
      }) : () -> ()
    } else {
    }
    return
  }
}

module attributes {stable_mosaic.version = 14 : i64} {
  func.func @_tc_body(%arg0: i32, %arg1: memref<1x64xf32, #tpu.memory_space<vmem>>, %arg2: memref<64x64xf32, #tpu.memory_space<vmem>>, %arg3: memref<1x64xf32, #tpu.memory_space<vmem>>, %arg4: memref<64x32768xf32, #tpu.memory_space<vmem>>, %arg5: memref<1x32768xf32, #tpu.memory_space<vmem>>, %arg6: memref<1x32768xf32, #tpu.memory_space<vmem>>, %arg7: memref<1x128xf32, #tpu.memory_space<vmem>>, %arg8: memref<2xf32, #tpu.memory_space<smem>>) attributes {dimension_semantics = [#tpu.dimension_semantics<arbitrary>], iteration_bounds = array<i64: 31>, scalar_prefetch = 0 : i64, scratch_operands = 1 : i64, tpu.core_type = #tpu.core_type<tc>, window_params = [{pipeline_mode = #tpu.pipeline_mode<synchronous>, transform_indices = @transform_0, window_bounds = array<i64: 1, 64>}, {pipeline_mode = #tpu.pipeline_mode<synchronous>, transform_indices = @transform_1, window_bounds = array<i64: 64, 64>}, {pipeline_mode = #tpu.pipeline_mode<synchronous>, transform_indices = @transform_2, window_bounds = array<i64: 1, 64>}, {transform_indices = @transform_3, window_bounds = array<i64: 64, 32768>}, {transform_indices = @transform_4, window_bounds = array<i64: 1, 32768>}, {transform_indices = @transform_5, window_bounds = array<i64: 1, 32768>}, {pipeline_mode = #tpu.pipeline_mode<synchronous>, transform_indices = @transform_6, window_bounds = array<i64: 1, 128>}]} {
    %eq3A = arith.constant 0 : i32
    %eq3A_0 = arith.cmpi eq, %arg0, %eq3A : i32
    %convert_element_type3A = arith.extui %eq3A_0 : i1 to i32
    %cond3A = arith.constant 0 : i32
    %cond3A_1 = arith.cmpi ne, %convert_element_type3A, %cond3A : i32
    scf.if %cond3A_1 {
      %swap3A_55 = arith.constant 0xFF800000 : f32
      %swap3A_56 = arith.constant 0 : index
      %swap3A_57 = memref.load %arg8[%swap3A_56] : memref<2xf32, #tpu.memory_space<smem>>
      memref.store %swap3A_55, %arg8[%swap3A_56] : memref<2xf32, #tpu.memory_space<smem>>
      %swap3A_58 = arith.constant 0.000000e+00 : f32
      %swap3A_59 = arith.constant 1 : index
      %swap3A_60 = memref.load %arg8[%swap3A_59] : memref<2xf32, #tpu.memory_space<smem>>
      memref.store %swap3A_58, %arg8[%swap3A_59] : memref<2xf32, #tpu.memory_space<smem>>
    } else {
    }
    %get3A = arith.constant 0 : index
    %get3A_2 = arith.constant 0 : index
    %get3A_3 = vector.load %arg1[%get3A, %get3A_2] : memref<1x64xf32, #tpu.memory_space<vmem>>, vector<1x64xf32>
    %get3A_4 = arith.constant 0 : index
    %get3A_5 = arith.constant 0 : index
    %get3A_6 = vector.load %arg2[%get3A_4, %get3A_5] : memref<64x64xf32, #tpu.memory_space<vmem>>, vector<64x64xf32>
    %dot_general3A = arith.constant dense<0.000000e+00> : vector<1x64xf32>
    %dot_general3A_7 = tpu.matmul %get3A_3, %get3A_6, %dot_general3A {dimension_numbers = #tpu.dot_dimension_numbers<[1], [1], [0], [0], [0, 0, 1, 0], [], []>, transpose_lhs_hint = false} : vector<1x64xf32>, vector<64x64xf32>, vector<1x64xf32> -> vector<1x64xf32>
    %get3A_8 = arith.constant 0 : index
    %get3A_9 = arith.constant 0 : index
    %get3A_10 = vector.load %arg3[%get3A_8, %get3A_9] : memref<1x64xf32, #tpu.memory_space<vmem>>, vector<1x64xf32>
    %add3A = arith.addf %dot_general3A_7, %get3A_10 : vector<1x64xf32>
    %max3A = arith.constant 0.000000e+00 : f32
    %max3A_11 = vector.broadcast %max3A : f32 to vector<1x64xf32>
    %max3A_12 = arith.maximumf %add3A, %max3A_11 : vector<1x64xf32>
    %get3A_13 = arith.constant 0 : index
    %get3A_14 = arith.constant 0 : index
    %get3A_15 = vector.load %arg4[%get3A_13, %get3A_14] : memref<64x32768xf32, #tpu.memory_space<vmem>>, vector<64x32768xf32>
    %dot_general3A_16 = arith.constant dense<0.000000e+00> : vector<1x32768xf32>
    %dot_general3A_17 = tpu.matmul %max3A_12, %get3A_15, %dot_general3A_16 {dimension_numbers = #tpu.dot_dimension_numbers<[1], [0], [0], [1], [0, 0, 1, 1], [], []>, transpose_lhs_hint = false} : vector<1x64xf32>, vector<64x32768xf32>, vector<1x32768xf32> -> vector<1x32768xf32>
    %get3A_18 = arith.constant 0 : index
    %get3A_19 = arith.constant 0 : index
    %get3A_20 = vector.load %arg5[%get3A_18, %get3A_19] : memref<1x32768xf32, #tpu.memory_space<vmem>>, vector<1x32768xf32>
    %add3A_21 = arith.addf %dot_general3A_17, %get3A_20 : vector<1x32768xf32>
    %swap3A = arith.constant 0 : index
    %swap3A_22 = arith.constant 0 : index
    %swap3A_23 = vector.load %arg6[%swap3A, %swap3A_22] : memref<1x32768xf32, #tpu.memory_space<vmem>>, vector<1x32768xf32>
    tpu.vector_store %arg6[%swap3A, %swap3A_22], %add3A_21 {strides = array<i32>} : memref<1x32768xf32, #tpu.memory_space<vmem>>, vector<1x32768xf32>,
    %mul3A = arith.constant 32768 : i32
    %mul3A_24 = arith.muli %arg0, %mul3A : i32
    %sub3A = arith.constant 1000000 : i32
    %sub3A_25 = arith.subi %sub3A, %mul3A_24 : i32
    %iota3A = tpu.iota {dimensions = array<i32: 1>} : vector<1x32768xi32>
    %lt3A = vector.broadcast %sub3A_25 : i32 to vector<1x32768xi32>
    %lt3A_26 = arith.cmpi slt, %iota3A, %lt3A : vector<1x32768xi32>
    %jit3A = arith.constant 0xFF800000 : f32
    %broadcast_in_dim3A = vector.broadcast %jit3A : f32 to vector<1x32768xf32>
    %select_n3A = arith.select %lt3A_26, %add3A_21, %broadcast_in_dim3A : vector<1x32768xi1>, vector<1x32768xf32>
    %get3A_27 = arith.constant 0 : index
    %get3A_28 = memref.load %arg8[%get3A_27] : memref<2xf32, #tpu.memory_space<smem>>
    %reduce_max3A = vector.shape_cast %select_n3A : vector<1x32768xf32> to vector<1x1x32768xf32>
    %reduce_max3A_29 = arith.constant dense<0xFF800000> : vector<1xf32>
    %reduce_max3A_30 = vector.multi_reduction <maximumf>, %reduce_max3A, %reduce_max3A_29 [1, 2] : vector<1x1x32768xf32> to vector<1xf32>
    %reduce_max3A_31 = vector.shape_cast %reduce_max3A_30 : vector<1xf32> to vector<1x1x1xf32>
    %reduce_max3A_32 = vector.extract %reduce_max3A_31[0, 0, 0] : f32 from vector<1x1x1xf32>
    %max3A_33 = arith.maximumf %get3A_28, %reduce_max3A_32 : f32
    %get3A_34 = arith.constant 1 : index
    %get3A_35 = memref.load %arg8[%get3A_34] : memref<2xf32, #tpu.memory_space<smem>>
    %sub3A_36 = arith.subf %get3A_28, %max3A_33 : f32
    %exp3A = math.exp %sub3A_36 : f32
    %mul3A_37 = arith.mulf %get3A_35, %exp3A : f32
    %sub3A_38 = vector.broadcast %max3A_33 : f32 to vector<1x32768xf32>
    %sub3A_39 = arith.subf %select_n3A, %sub3A_38 : vector<1x32768xf32>
    %exp3A_40 = math.exp %sub3A_39 : vector<1x32768xf32>
    %reduce_sum3A = vector.shape_cast %exp3A_40 : vector<1x32768xf32> to vector<1x1x32768xf32>
    %reduce_sum3A_41 = arith.constant dense<0.000000e+00> : vector<1xf32>
    %reduce_sum3A_42 = vector.multi_reduction <add>, %reduce_sum3A, %reduce_sum3A_41 [1, 2] : vector<1x1x32768xf32> to vector<1xf32>
    %reduce_sum3A_43 = vector.shape_cast %reduce_sum3A_42 : vector<1xf32> to vector<1x1x1xf32>
    %reduce_sum3A_44 = vector.extract %reduce_sum3A_43[0, 0, 0] : f32 from vector<1x1x1xf32>
    %add3A_45 = arith.addf %mul3A_37, %reduce_sum3A_44 : f32
    %swap3A_46 = arith.constant 1 : index
    %swap3A_47 = memref.load %arg8[%swap3A_46] : memref<2xf32, #tpu.memory_space<smem>>
    memref.store %add3A_45, %arg8[%swap3A_46] : memref<2xf32, #tpu.memory_space<smem>>
    %swap3A_48 = arith.constant 0 : index
    %swap3A_49 = memref.load %arg8[%swap3A_48] : memref<2xf32, #tpu.memory_space<smem>>
    memref.store %max3A_33, %arg8[%swap3A_48] : memref<2xf32, #tpu.memory_space<smem>>
    %eq3A_50 = arith.constant 30 : i32
    %eq3A_51 = arith.cmpi eq, %arg0, %eq3A_50 : i32
    %convert_element_type3A_52 = arith.extui %eq3A_51 : i1 to i32
    %cond3A_53 = arith.constant 0 : i32
    %cond3A_54 = arith.cmpi ne, %convert_element_type3A_52, %cond3A_53 : i32
    scf.if %cond3A_54 {
      %get3A_55 = arith.constant 0 : index
      %get3A_56 = memref.load %arg8[%get3A_55] : memref<2xf32, #tpu.memory_space<smem>>
      %get3A_57 = arith.constant 1 : index
      %get3A_58 = memref.load %arg8[%get3A_57] : memref<2xf32, #tpu.memory_space<smem>>
      %log3A = math.log %get3A_58 : f32
      %add3A_59 = arith.addf %get3A_56, %log3A : f32
      %broadcast_in_dim3A_60 = vector.broadcast %add3A_59 : f32 to vector<1x128xf32>
      %swap3A_61 = arith.constant 0 : index
      %swap3A_62 = arith.constant 0 : index
      %swap3A_63 = vector.load %arg7[%swap3A_61, %swap3A_62] : memref<1x128xf32, #tpu.memory_space<vmem>>, vector<1x128xf32>
      tpu.vector_store %arg7[%swap3A_61, %swap3A_62], %broadcast_in_dim3A_60 {strides = array<i32>} : memref<1x128xf32, #tpu.memory_space<vmem>>, vector<1x128xf32>,
    } else {
    }
    return
  }
  func.func @transform_0(%arg0: i32) -> (i32, i32) {
    %c0_i32 = arith.constant 0 : i32
    %c0_i32_0 = arith.constant 0 : i32
    %c0_i32_1 = arith.constant 0 : i32
    return %c0_i32, %c0_i32_0 : i32, i32
  }
  func.func @transform_1(%arg0: i32) -> (i32, i32) {
    %c0_i32 = arith.constant 0 : i32
    %c0_i32_0 = arith.constant 0 : i32
    %c0_i32_1 = arith.constant 0 : i32
    return %c0_i32, %c0_i32_0 : i32, i32
  }
  func.func @transform_2(%arg0: i32) -> (i32, i32) {
    %c0_i32 = arith.constant 0 : i32
    %c0_i32_0 = arith.constant 0 : i32
    %c0_i32_1 = arith.constant 0 : i32
    return %c0_i32, %c0_i32_0 : i32, i32
  }
  func.func @transform_3(%arg0: i32) -> (i32, i32) {
    %c0_i32 = arith.constant 0 : i32
    %c0_i32_0 = arith.constant 0 : i32
    return %c0_i32, %arg0 : i32, i32
  }
  func.func @transform_4(%arg0: i32) -> (i32, i32) {
    %c0_i32 = arith.constant 0 : i32
    %c0_i32_0 = arith.constant 0 : i32
    return %c0_i32, %arg0 : i32, i32
  }
  func.func @transform_5(%arg0: i32) -> (i32, i32) {
    %c0_i32 = arith.constant 0 : i32
    %c0_i32_0 = arith.constant 0 : i32
    return %c0_i32, %arg0 : i32, i32
  }
  func.func @transform_6(%arg0: i32) -> (i32, i32) {
    %c0_i32 = arith.constant 0 : i32
    %c0_i32_0 = arith.constant 0 : i32
    %c0_i32_1 = arith.constant 0 : i32
    return %c0_i32, %c0_i32_0 : i32, i32
  }
}

module attributes {stable_mosaic.version = 14 : i64} {
  func.func @_mv_body(%arg0: i32, %arg1: memref<64x32768xf32, #tpu.memory_space<vmem>>, %arg2: memref<32768xf32, #tpu.memory_space<vmem>>, %arg3: memref<1x64xf32, #tpu.memory_space<vmem>>, %arg4: memref<1x64xf32, #tpu.memory_space<vmem>>) attributes {dimension_semantics = [#tpu.dimension_semantics<arbitrary>], iteration_bounds = array<i64: 31>, scalar_prefetch = 0 : i64, scratch_operands = 1 : i64, tpu.core_type = #tpu.core_type<tc>, window_params = [{transform_indices = @transform_0, window_bounds = array<i64: 64, 32768>}, {transform_indices = @transform_1, window_bounds = array<i64: 32768>}, {pipeline_mode = #tpu.pipeline_mode<synchronous>, transform_indices = @transform_2, window_bounds = array<i64: 1, 64>}]} {
    %eq3A = arith.constant 0 : i32
    %eq3A_0 = arith.cmpi eq, %arg0, %eq3A : i32
    %convert_element_type3A = arith.extui %eq3A_0 : i1 to i32
    %cond3A = arith.constant 0 : i32
    %cond3A_1 = arith.cmpi ne, %convert_element_type3A, %cond3A : i32
    scf.if %cond3A_1 {
      %broadcast_in_dim3A_20 = arith.constant 0.000000e+00 : f32
      %broadcast_in_dim3A_21 = vector.broadcast %broadcast_in_dim3A_20 : f32 to vector<1x64xf32>
      %swap3A_22 = arith.constant 0 : index
      %swap3A_23 = arith.constant 0 : index
      %swap3A_24 = vector.load %arg4[%swap3A_22, %swap3A_23] : memref<1x64xf32, #tpu.memory_space<vmem>>, vector<1x64xf32>
      tpu.vector_store %arg4[%swap3A_22, %swap3A_23], %broadcast_in_dim3A_21 {strides = array<i32>} : memref<1x64xf32, #tpu.memory_space<vmem>>, vector<1x64xf32>,
    } else {
    }
    %mul3A = arith.constant 32768 : i32
    %mul3A_2 = arith.muli %arg0, %mul3A : i32
    %sub3A = arith.constant 1000000 : i32
    %sub3A_3 = arith.subi %sub3A, %mul3A_2 : i32
    %iota3A = tpu.iota {dimensions = array<i32: 1>} : vector<1x32768xi32>
    %lt3A = vector.broadcast %sub3A_3 : i32 to vector<1x32768xi32>
    %lt3A_4 = arith.cmpi slt, %iota3A, %lt3A : vector<1x32768xi32>
    %get3A = arith.constant 0 : index
    %get3A_5 = vector.load %arg2[%get3A] : memref<32768xf32, #tpu.memory_space<vmem>>, vector<32768xf32>
    %reshape3A = vector.shape_cast %get3A_5 : vector<32768xf32> to vector<1x32768xf32>
    %jit3A = arith.constant 0.000000e+00 : f32
    %broadcast_in_dim3A = vector.broadcast %jit3A : f32 to vector<1x32768xf32>
    %select_n3A = arith.select %lt3A_4, %reshape3A, %broadcast_in_dim3A : vector<1x32768xi1>, vector<1x32768xf32>
    %get3A_6 = arith.constant 0 : index
    %get3A_7 = arith.constant 0 : index
    %get3A_8 = vector.load %arg4[%get3A_6, %get3A_7] : memref<1x64xf32, #tpu.memory_space<vmem>>, vector<1x64xf32>
    %get3A_9 = arith.constant 0 : index
    %get3A_10 = arith.constant 0 : index
    %get3A_11 = vector.load %arg1[%get3A_9, %get3A_10] : memref<64x32768xf32, #tpu.memory_space<vmem>>, vector<64x32768xf32>
    %dot_general3A = arith.constant dense<0.000000e+00> : vector<1x64xf32>
    %dot_general3A_12 = tpu.matmul %select_n3A, %get3A_11, %dot_general3A {dimension_numbers = #tpu.dot_dimension_numbers<[1], [1], [0], [0], [0, 0, 1, 0], [], []>, transpose_lhs_hint = false} : vector<1x32768xf32>, vector<64x32768xf32>, vector<1x64xf32> -> vector<1x64xf32>
    %add3A = arith.addf %get3A_8, %dot_general3A_12 : vector<1x64xf32>
    %swap3A = arith.constant 0 : index
    %swap3A_13 = arith.constant 0 : index
    %swap3A_14 = vector.load %arg4[%swap3A, %swap3A_13] : memref<1x64xf32, #tpu.memory_space<vmem>>, vector<1x64xf32>
    tpu.vector_store %arg4[%swap3A, %swap3A_13], %add3A {strides = array<i32>} : memref<1x64xf32, #tpu.memory_space<vmem>>, vector<1x64xf32>,
    %eq3A_15 = arith.constant 30 : i32
    %eq3A_16 = arith.cmpi eq, %arg0, %eq3A_15 : i32
    %convert_element_type3A_17 = arith.extui %eq3A_16 : i1 to i32
    %cond3A_18 = arith.constant 0 : i32
    %cond3A_19 = arith.cmpi ne, %convert_element_type3A_17, %cond3A_18 : i32
    scf.if %cond3A_19 {
      %get3A_20 = arith.constant 0 : index
      %get3A_21 = arith.constant 0 : index
      %get3A_22 = vector.load %arg4[%get3A_20, %get3A_21] : memref<1x64xf32, #tpu.memory_space<vmem>>, vector<1x64xf32>
      %swap3A_23 = arith.constant 0 : index
      %swap3A_24 = arith.constant 0 : index
      %swap3A_25 = vector.load %arg3[%swap3A_23, %swap3A_24] : memref<1x64xf32, #tpu.memory_space<vmem>>, vector<1x64xf32>
      tpu.vector_store %arg3[%swap3A_23, %swap3A_24], %get3A_22 {strides = array<i32>} : memref<1x64xf32, #tpu.memory_space<vmem>>, vector<1x64xf32>,
    } else {
    }
    return
  }
  func.func @transform_0(%arg0: i32) -> (i32, i32) {
    %c0_i32 = arith.constant 0 : i32
    %c0_i32_0 = arith.constant 0 : i32
    return %c0_i32, %arg0 : i32, i32
  }
  func.func @transform_1(%arg0: i32) -> i32 {
    %c0_i32 = arith.constant 0 : i32
    return %arg0 : i32
  }
  func.func @transform_2(%arg0: i32) -> (i32, i32) {
    %c0_i32 = arith.constant 0 : i32
    %c0_i32_0 = arith.constant 0 : i32
    %c0_i32_1 = arith.constant 0 : i32
    return %c0_i32, %c0_i32_0 : i32, i32
  }
}

module attributes {stable_mosaic.version = 14 : i64} {
  func.func @_sub_body(%arg0: i32, %arg1: memref<1x65536xf32, #tpu.memory_space<vmem>>, %arg2: memref<1x128xf32, #tpu.memory_space<vmem>>, %arg3: memref<1x65536xf32, #tpu.memory_space<vmem>>) attributes {dimension_semantics = [#tpu.dimension_semantics<arbitrary>], iteration_bounds = array<i64: 16>, scalar_prefetch = 0 : i64, scratch_operands = 0 : i64, tpu.core_type = #tpu.core_type<tc>, window_params = [{transform_indices = @transform_0, window_bounds = array<i64: 1, 65536>}, {pipeline_mode = #tpu.pipeline_mode<synchronous>, transform_indices = @transform_1, window_bounds = array<i64: 1, 128>}, {transform_indices = @transform_2, window_bounds = array<i64: 1, 65536>}]} {
    %get3A = arith.constant 0 : index
    %get3A_0 = arith.constant 0 : index
    %get3A_1 = vector.load %arg1[%get3A, %get3A_0] : memref<1x65536xf32, #tpu.memory_space<vmem>>, vector<1x65536xf32>
    %get3A_2 = arith.constant 0 : index
    %get3A_3 = arith.constant 0 : index
    %get3A_4 = vector.load %arg2[%get3A_2, %get3A_3] : memref<1x128xf32, #tpu.memory_space<vmem>>, vector<1x1xf32>
    %get3A_5 = vector.extract %get3A_4[0, 0] : f32 from vector<1x1xf32>
    %sub3A = vector.broadcast %get3A_5 : f32 to vector<1x65536xf32>
    %sub3A_6 = arith.subf %get3A_1, %sub3A : vector<1x65536xf32>
    %swap3A = arith.constant 0 : index
    %swap3A_7 = arith.constant 0 : index
    %swap3A_8 = vector.load %arg3[%swap3A, %swap3A_7] : memref<1x65536xf32, #tpu.memory_space<vmem>>, vector<1x65536xf32>
    tpu.vector_store %arg3[%swap3A, %swap3A_7], %sub3A_6 {strides = array<i32>} : memref<1x65536xf32, #tpu.memory_space<vmem>>, vector<1x65536xf32>,
    return
  }
  func.func @transform_0(%arg0: i32) -> (i32, i32) {
    %c0_i32 = arith.constant 0 : i32
    %c0_i32_0 = arith.constant 0 : i32
    return %c0_i32, %arg0 : i32, i32
  }
  func.func @transform_1(%arg0: i32) -> (i32, i32) {
    %c0_i32 = arith.constant 0 : i32
    %c0_i32_0 = arith.constant 0 : i32
    %c0_i32_1 = arith.constant 0 : i32
    return %c0_i32, %c0_i32_0 : i32, i32
  }
  func.func @transform_2(%arg0: i32) -> (i32, i32) {
    %c0_i32 = arith.constant 0 : i32
    %c0_i32_0 = arith.constant 0 : i32
    return %c0_i32, %arg0 : i32, i32
  }
}

</mosaic_0001>

<sc_bundles>
// kernel: kernel.6.cloned.1.call-start
scs
__scs_entry_jumppad:
0x0: {  	(pc) =	sbr.rel $0x88, $3  }
0x1: {  	(tag) =	ssettag $0x0;
	lr =	simm.s32 $0x1  }
0x2: {  	[smem:$0x3F9B] =	sst lr;
	_ =	strace $0xD0000000  }
0x3: {  	_ = 	snop  }
0x4: {  	_ = 	snop  }
0x5: {  	_ = 	snop  }
0x6: {  	_ = 	snop  }
0x7: {  	_ = 	snop  }
__scs_overlays_trampoline_lowered:
0x8: {  	[smem:$0x3FAA] =	sst s0  }
0x9: {  	[smem:$0x3FAB] =	sst s1  }
0xa: {  	[smem:$0x3FAC] =	sst s2  }
0xb: {  	[smem:$0x3FAD] =	sst s3  }
0xc: {  	[smem:$0x3FAE] =	sst s4  }
0xd: {  	[smem:$0x3FAF] =	sst s5  }
0xe: {  	[smem:$0x3FB0] =	sst s6  }
0xf: {  	[smem:$0x3FB1] =	sst s7  }
0x10: {  	[smem:$0x3FB2] =	sst s8  }
0x11: {  	[smem:$0x3FB3] =	sst s9;
	s0 =	simm.s32 @!p0 $0x0  }
0x12: {  	s1 =	sld [smem:$0x3F99];
	s0 =	simm.s32 @p0 $0x1  }
0x13: {  	[smem:$0x3FB4] =	sst s0;
	s0 =	simm.s32 @!p1 $0x0  }
0x14: {  	s2 =	sld [smem:$0x3F98];
	s0 =	simm.s32 @p1 $0x1  }
0x15: {  	[smem:$0x3FB5] =	sst s0;
	s0 =	simm.s32 @!p2 $0x0  }
0x16: {  	s3 =	sld [smem:$0x3FDB];
	s0 =	simm.s32 @p2 $0x1  }
0x17: {  	s4 =	simm.s32 $0x1BF5;
	[smem:$0x3FB7] =	sst s0  }
0x18: {  	s0 =	sld [smem:$0x3F9A];
	_ =	swait.ge [sflag:s4], $0x0  }
0x19: {  	s7 =	sld [smem:$0x3F9B]  }
0x1a: {  	s8 =	sadd.s32 $0xFFFFE003, lr  }
0x1b: {  	s9 =	sadd.s32 $0xFFFFFEF7, lr;
	s5 =	simm.s32 $0xFFFFFFFF;
	p2 =	slt.u32 s8, $0xFFFFF086  }
0x1c: {  	p1 =	slt.u32 s9, $0xF7A;
	s5 =	simm.s32 @!p2 $0x0  }
0x1d: {  	s5 =	simm.s32 @p1 $0x1;
	p0 =	seq.s32 s7, s2  }
0x1e: {  	s7 =	smul.u32 @!p0 $0xF7A, s2;
	p2 =	seq.s32 @!p0 s5, $0x0  }
0x1f: {  	s9 =	smul.u32 $0xF7A, s1;
	s8 =	simm.s32 @!p0 $0x1BF5;
	p2 =	por !p2, p0  }
0x20: {  	[sflag:s8] =	ssyncset.s32 @!p0 $0xFFFFF086;
	s6 =	sadd.s32 @!p0 s3, s7;
	s7 =	simm.s32 @!p0 $0x108  }
0x21: {  	s3 =	sadd.s32 s3, s9;
	s6 =	sadd.s32 @!p0 $0x88, s6;
	s7 =	simm.s32 @p2 $0x1082  }
0x22: {  	[simem:s7], [sflag:s8] =	dma.local @!p0 [hbm:s6], $0xF7A  }
0x23: {  	s9 =	sor.u32 $0xD0000000, s2;
	s6 =	simm.s32 $0x108;
	_ =	swait.ge @!p0 [sflag:s8], $0x0  }
0x24: {  	s3 =	sadd.s32 $0x88, s3;
	s6 =	simm.s32 @!p1 $0x1082;
	[sflag:s4] =	ssyncset.s32 $0xFFFFF086  }
0x25: {  	[simem:s6], [sflag:s4] =	dma.local [hbm:s3], $0xF7A  }
0x26: {  	[smem:$0x3F9B] =	sst s1;
	(tag) =	ssettag s2;
	_ =	strace s9  }
0x27: {  	s1 =	sld [smem:$0x3FAB]  }
0x28: {  	s2 =	sld [smem:$0x3FAC]  }
0x29: {  	s4 =	sld [smem:$0x3FAE]  }
0x2a: {  	p0 =	seq.s32 s5, $0x0;
	s5 =	sld [smem:$0x3FAF]  }
0x2b: {  	s6 =	sld [smem:$0x3FB0]  }
0x2c: {  	s7 =	sld [smem:$0x3FB1]  }
0x2d: {  	s3 =	simm.s32 $0x108;
	s8 =	sld [smem:$0x3FB2]  }
0x2e: {  	s3 =	simm.s32 @!p0 $0x1082;
	s9 =	sld [smem:$0x3FB3]  }
0x2f: {  	lr =	sadd.s32 s0, s3;
	s0 =	sld [smem:$0x3FAA]  }
0x30: {  	s3 =	sld [smem:$0x3FAD]  }
0x31: {  	[smem:$0x3FB6] =	sst s10  }
0x32: {  	s10 =	sld [smem:$0x3FB4];
	_ =	sdelay $0x3  }
0x33: {  	p0 =	seq.s32 s10, $0x1;
	s10 =	sld [smem:$0x3FB6];
	_ =	sdelay $0x3  }
0x34: {  	[smem:$0x3FB6] =	sst s10  }
0x35: {  	s10 =	sld [smem:$0x3FB5];
	_ =	sdelay $0x3  }
0x36: {  	p1 =	seq.s32 s10, $0x1;
	s10 =	sld [smem:$0x3FB6];
	_ =	sdelay $0x3  }
0x37: {  	[smem:$0x3FB6] =	sst s10  }
0x38: {  	s10 =	sld [smem:$0x3FB7]  }
0x39: {  	_ = 	snop;
	(pc) =	sbr.ind lr, $3  }
0x3a: {  	_ = 	snop  }
0x3b: {  	_ = 	snop  }
0x3c: {  	p2 =	seq.s32 s10, $0x1;
	s10 =	sld [smem:$0x3FB6]  }
0x3d: {  	_ =	shalt  }
0x3e: {  	_ =	shalt  }
0x3f: {  	_ =	shalt  }
0x40: {  	_ =	shalt  }
0x41: {  	_ =	shalt  }
0x42: {  	_ =	shalt  }
0x43: {  	_ =	shalt  }
0x44: {  	_ =	shalt  }
0x45: {  	_ =	shalt  }
0x46: {  	_ =	shalt  }
0x47: {  	_ =	shalt  }
0x48: {  	_ =	shalt  }
0x49: {  	_ =	shalt  }
0x4a: {  	_ =	shalt  }
0x4b: {  	_ =	shalt  }
0x4c: {  	_ =	shalt  }
0x4d: {  	_ =	shalt  }
0x4e: {  	_ =	shalt  }
0x4f: {  	_ =	shalt  }
0x50: {  	_ =	shalt  }
0x51: {  	_ =	shalt  }
0x52: {  	_ =	shalt  }
0x53: {  	_ =	shalt  }
0x54: {  	_ =	shalt  }
0x55: {  	_ =	shalt  }
0x56: {  	_ =	shalt  }
0x57: {  	_ =	shalt  }
0x58: {  	_ =	shalt  }
0x59: {  	_ =	shalt  }
0x5a: {  	_ =	shalt  }
0x5b: {  	_ =	shalt  }
0x5c: {  	_ =	shalt  }
0x5d: {  	_ =	shalt  }
0x5e: {  	_ =	shalt  }
0x5f: {  	_ =	shalt  }
0x60: {  	_ =	shalt  }
0x61: {  	_ =	shalt  }
0x62: {  	_ =	shalt  }
0x63: {  	_ =	shalt  }
0x64: {  	_ =	shalt  }
0x65: {  	_ =	shalt  }
0x66: {  	_ =	shalt  }
0x67: {  	_ =	shalt  }
0x68: {  	_ =	shalt  }
0x69: {  	_ =	shalt  }
0x6a: {  	_ =	shalt  }
0x6b: {  	_ =	shalt  }
0x6c: {  	_ =	shalt  }
0x6d: {  	_ =	shalt  }
0x6e: {  	_ =	shalt  }
0x6f: {  	_ =	shalt  }
0x70: {  	_ =	shalt  }
0x71: {  	_ =	shalt  }
0x72: {  	_ =	shalt  }
0x73: {  	_ =	shalt  }
0x74: {  	_ =	shalt  }
0x75: {  	_ =	shalt  }
0x76: {  	_ =	shalt  }
0x77: {  	_ =	shalt  }
0x78: {  	_ =	shalt  }
0x79: {  	_ =	shalt  }
0x7a: {  	_ =	shalt  }
0x7b: {  	_ =	shalt  }
0x7c: {  	_ =	shalt  }
0x7d: {  	_ =	shalt  }
0x7e: {  	_ =	shalt  }
0x7f: {  	_ =	shalt  }
0x80: {  	_ =	shalt  }
0x81: {  	_ =	shalt  }
0x82: {  	_ =	shalt  }
0x83: {  	_ =	shalt  }
0x84: {  	_ =	shalt  }
0x85: {  	_ =	shalt  }
0x86: {  	_ =	shalt  }
0x87: {  	_ =	shalt  }
.Lfunc_end0:
.L_simem_size_0:
called_computation_lowered:
.L_overlay_start_0:
0x88: {  	s2 =	sld [smem:$0x3FD9]  }
0x89: {  	s3 =	sld [smem:$0x3FFE];
	_ =	sdelay $0x1  }
0x8a: {  	s1 =	srdreg.scid  }
0x8b: {  	s0 =	sand.u32 $0x1, s1  }
0x8c: {  	s17 =	sshll.u32 s0, $0xA;
	s2 =	sadd.s32 s3, s2  }
0x8d: {  	s2 =	sadd.s32 s2, s17  }
0x8e: {  	[smem:$0x3FC2] =	sst s2  }
0x8f: {  	_ = 	snop  }
0x90: {  	s2 =	sld [smem:$0x3FC9];
	(tm) =	ssettm $0x1  }
0x91: {  	s18 =	sld [smem:$0x3FFB];
	_ =	sdelay $0x3  }
0x92: {  	_ =	strace s18  }
0x93: {  	s3 =	sld [smem:$0x3FFC];
	_ =	sdelay $0x3  }
0x94: {  	_ =	strace s3  }
0x95: {  	s3 =	sld [smem:$0x3FFD];
	_ =	sdelay $0x3  }
0x96: {  	_ =	strace s3  }
0x97: {  	_ =	strace $0x8FFFFFFF  }
0x98: {  	s19 =	sld [smem:$0x3FDB];
	_ =	sdelay $0x1  }
0x99: {  	s4 =	simm.s32 $_scs_section_size  }
0x9a: {  	s5 =	simm.s32 $_size__tile_overlayer_lowered;
	s6 =	simm.s32 $_tile_overlayer_lowered  }
0x9b: {  	s22 =	simm.s32 $0x1BFF;
	s21 =	sshll.u32 s6, $0x1;
	s3 =	sadd.s32 s4, s19  }
0x9c: {  	s7 =	simm.s32 $0x0;
	s20 =	sshll.u32 s5, $0x1;
	s5 =	sadd.s32 s21, s3  }
0x9d: {  	[timem:s7], [sflag:s22] =	dma.local [hbm:s5], s20  }
0x9e: {  	_ =	swait.ge [sflag:s22], s20  }
0x9f: {  	s4 =	ssub.s32 $0x0, s20;
	[sflag:s22] =	ssyncset.done $0x0  }
0xa0: {  	[sflag:s22] =	ssyncadd.s32 s4;
	_ =	sdelay $0x1  }
0xa1: {  	s23 =	simm.s32 $0x1B8B  }
0xa2: {  	_ =	swait.ge [sflag:s23], $0x1  }
0xa3: {  	[sflag:s23] =	ssyncset.done $0x0  }
0xa4: {  	s25 =	simm.s32 $0x1B8E;
	s24 =	sld [smem:$0x3FFE];
	[sflag:s23] =	ssyncadd.s32 $0xFFFFFFFF  }
0xa5: {  	s26 =	simm.s32 $execute0_lowered;
	[smem:$0x3FD2] =	sst s25  }
0xa6: {  	s5 =	sshll.u32 s26, $0x1;
	_ =	strace $0x80000046;
	[dreg:$0x1] =	wrdreg $0xFFFFFFFF  }
0xa7: {  	s28 =	simm.s32 $_size_execute0_lowered;
	s3 =	sadd.s32 s3, s5;
	[dreg:$0x0] =	wrdreg $0x0  }
0xa8: {  	s5 =	sshll.u32 s28, $0x1;
	[dreg:$0x2] =	wrdreg s3  }
0xa9: {  	[dreg:$0x3] =	wrdreg s5  }
0xaa: {  	[dreg:$0x4] =	wrdreg $0xC0  }
0xab: {  	_ =	task [dreg:s7], $0x5FFFF  }
0xac: {  	[dreg:$0x1] =	wrdreg $0xFFFFFFFF  }
0xad: {  	[dreg:$0x0] =	wrdreg $0x60  }
0xae: {  	[dreg:$0x2] =	wrdreg s2  }
0xaf: {  	[dreg:$0x3] =	wrdreg s24  }
0xb0: {  	[dreg:$0x4] =	wrdreg $0x13C800  }
0xb1: {  	[dreg:$0x5] =	wrdreg $0x9  }
0xb2: {  	_ =	task.clear_ibuf [dreg:s7], $0x6FFFF;
	_ =	strace $0x90000046  }
0xb3: {  	s29 =	simm.s32 $0x9;
	_ =	strace $0x80000048  }
0xb4: {  	_ =	swait.ge [sflag:s29], $0x1  }
0xb5: {  	[sflag:s29] =	ssyncadd.s32 $0xFFFFFFFF  }
0xb6: {  	_ =	strace $0x90000048  }
0xb7: {  	_ =	sfence  }
0xb8: {  	s30 =	sld [smem:$0x0];
	_ =	sdelay $0x2  }
0xb9: {  	s31 =	sshll.u32 s1, $0xD;
	s1 =	sshrl.u32 s1, $0x2  }
0xba: {  	s3 =	sand.u32 $0x4000, s31;
	s1 =	sadd.s32 s1, s30  }
0xbb: {  	s0 =	sor.u32 s3, s0;
	s1 =	sshll.u32 s1, $0x11  }
0xbc: {  	s0 =	sor.u32 s1, s0  }
0xbd: {  	s0 =	sadd.s32 $0x8F2B, s0  }
0xbe: {  	[sflag:s0] =	ssyncadd.remote.s32 $0x1  }
0xbf: {  	_ =	sfence.sel $0xFFFF  }
0xc0: {  	[dreg:$0x0] =	wrdreg $0xFFFFFFFF;
	(pc) =	sbr.abs _section_cstart, $3  }
0xc1: {  	[dreg:$0x1] =	wrdreg $0xFFFFFFFF  }
0xc2: {  	_ =	task.clear_ibuf [dreg:s7], $0x2FFFF;
	_ =	strace $0x9FFFFFFF  }
0xc3: {  	(tm) =	ssettm $0x7FFFFFFF  }
tec
execute0_lowered:
.L_overlay_start_1:
0x0: {  	(tag) =	ssettag $0x1  }
0x1: {  	s0 =	srdreg.scid;
	s1 =	rddreg [dreg:$0x1]  }
0x2: {  	s8 =	stileid.u32;
	s3 =	rddreg [dreg:$0x2];
	s4 =	simm.s32 $0x0  }
0x3: {  	s10 =	simm.s32 $0x1;
	s12 =	simm.s32 $0x400;
	s30 =	simm.s32 $0x6000  }
0x4: {  	s31 =	simm.s32 $0xA000;
	s11 =	simm.s32 $0xA800;
	s13 =	simm.s32 $0x6C00  }
0x5: {  	s14 =	simm.s32 $0xAC00;
	s15 =	simm.s32 $0x7000;
	s16 =	simm.s32 $0xB000  }
0x6: {  	s19 =	simm.s32 $0x7800;
	s21 =	simm.s32 $0x7C00;
	s0 =	sand.u32 $0x1, s0  }
0x7: {  	s22 =	simm.s32 $0xBC00;
	[smem:$0x7FF] =	sst s4;
	s2 =	sshll.u32 s0, $0x4  }
0x8: {  	_ =	strace $0x80000047;
	s6 =	ssub.s32 $0x2, s0;
	s18 =	smul.u32 $0x7A000, s0  }
0x9: {  	s0 =	simm.s32 $0x7C40;
	s2 =	sor.u32 s8, s2;
	s8 =	smul.u32 $0x1EAC0, s8  }
0xa: {  	s25 =	sshrl.u32 s6, $0x1;
	s17 =	smul.u32 $0x7A00, s2;
	p0 =	seq.s32 s2, $0x1F  }
0xb: {  	s26 =	ssub.s32 s6, s25;
	s2 =	simm.s32 $0x6400;
	s0 =	simm.s32 @!p0 $0x7A00  }
0xc: {  	s28 =	sshrl.u32 s8, $0x2;
	s8 =	sadd.s32 $0x1E6C0, s1;
	s9 =	smax.u32 s26, $0x1  }
0xd: {  	s5 =	sshrl.u32 s17, $0x3;
	s20 =	sadd.s32 s17, s0;
	s29 =	ssub.s32 s17, s18  }
0xe: {  	v0 =	vmov s18;
	s0 =	simm.s32 $0xA400;
	v1 =	vmov s17;
	s17 =	simm.s32 $0x7400;
	s18 =	simm.s32 $0xB400  }
0xf: {  	s7 =	sadd.s32 s5, s1;
	s5 =	sadd.s32 s28, s3;
	s6 =	sadd.s32 s29, s3  }
0x10: {  	v3 =	vimm.f32 $0.0e+00;
	v4 =	vlaneseq.u32;
	s1 =	simm.s32 $0x6800;
	v2 =	vmov s20;
	s20 =	simm.s32 $0xB800;
	s7 =	sadd.s32 $0xE00, s7  }
.LBB2_1:
0x11: {  	s23 =	simm.s32 $0x40;
	s24 =	simm.s32 $0x0  }
.LBB2_2:
0x12: {  	p1 =	sne.s32 s23, $0x1EA80;
	[tilespmem:s24+$0xC000] =	vst v3;
	s24 =	smov.u32 s23;
	s23 =	sadd.s32 $0x40, s23  }
.Ltmp0:
0x13: {  	(pc) =	sbr.rel @p1 .LBB2_2-.Ltmp0, $2  }
0x14: {  	_ =	sdelay $0x2  }
0x15: {  	s24 =	sshra.s32 s24, $0x2  }
0x16: {  	[tilespmem:s24+$0xC000] =	vst v3;
	s23 =	simm.s32 $0x0;
	s25 =	rddreg [dreg:$0x0]  }
0x17: {  	[tilespmem:s23], [sflag:$0x1] =	stream.linear.gather [hbm4b:s25+s23], $0x4000, $0x38;
	[tilespmem:$0x1B730] =	vst v63  }
0x18: {  	_ =	swait.ge [sflag:s10], $0x4000  }
0x19: {  	[sflag:s10] =	ssyncset.done $0x0  }
0x1a: {  	[sflag:s10] =	ssyncadd.s32 $0xFFFFC000  }
0x1b: {  	v5 =	vld [tilespmem:s23+$0x0];
	_ =	sdelay $0x4  }
0x1c: {  	s26 =	simm.s32 $0x7A240;
	vm0 =	vge.s32 v5, v1;
	vm1 =	vlt.s32 v5, v2  }
0x1d: {  	v6 =	vsub.s32 v5, v0;
	v5 =	vor.u32 s26, v4;
	vm0 =	vmand vm0, vm1  }
0x1e: {  	s25 =	simm.s32 $0x4000;
	v6 =	vsel vm0, v6, v5  }
0x1f: {  	s24 =	simm.s32 $0x8000;
	v7 =	vsel vm0, $0x3F800000, v3;
	[tilespmem:s25+$0x0] =	vst v6  }
0x20: {  	s28 =	simm.s32 $0x10;
	[tilespmem:s24+$0x0] =	vst v7  }
0x21: {  	v6 =	vld [tilespmem:s28+$0x0]  }
0x22: {  	s29 =	simm.s32 $0x7A260;
	s23 =	simm.s32 $0x7A250;
	s26 =	simm.s32 $0x7A250  }
.LBB2_4:
0x23: {  	p1 =	sne.s32 s29, $0x7A630;
	_ =	sdelay $0x2  }
0x24: {  	vm0 =	vge.s32 v6, v1;
	vm1 =	vlt.s32 v6, v2  }
0x25: {  	v7 =	vor.u32 s26, v4;
	s26 =	smov.u32 s29;
	v6 =	vsub.s32 v6, v0;
	vm0 =	vmand vm0, vm1  }
.Ltmp1:
0x26: {  	s25 =	sadd.s32 $0x10, s25;
	v6 =	vsel vm0, v6, v7;
	v7 =	vsel vm0, $0x3F800000, v3;
	(pc) =	sbr.rel @p1 .LBB2_4-.Ltmp1, $4  }
0x27: {  	s24 =	sadd.s32 $0x10, s24;
	[tilespmem:s25+$0x0] =	vst v6  }
0x28: {  	s28 =	sadd.s32 $0x10, s28;
	[tilespmem:s24+$0x0] =	vst v7  }
0x29: {  	v6 =	vld [tilespmem:s28+$0x0]  }
0x2a: {  	s29 =	sadd.s32 $0x10, s29  }
0x2b: {  	_ =	sdelay $0x2  }
0x2c: {  	vm0 =	vge.s32 v6, v1;
	vm1 =	vlt.s32 v6, v2  }
0x2d: {  	v7 =	vor.u32 s26, v4;
	v6 =	vsub.s32 v6, v0;
	vm0 =	vmand vm0, vm1  }
0x2e: {  	s25 =	sadd.s32 $0x10, s25;
	v6 =	vsel vm0, v6, v7  }
0x2f: {  	s24 =	sadd.s32 $0x10, s24;
	v7 =	vsel vm0, $0x3F800000, v3;
	[tilespmem:s25+$0x0] =	vst v6  }
0x30: {  	s29 =	simm.s32 $0x400;
	[tilespmem:s24+$0x0] =	vst v7  }
0x31: {  	v6 =	vld [tilespmem:s29+$0x0];
	_ =	sdelay $0x4  }
0x32: {  	vm14 =	vge.s32 v6, v1;
	vm15 =	vlt.s32 v6, v2  }
0x33: {  	v6 =	vsub.s32 v6, v0;
	vm0 =	vmand vm14, vm15  }
0x34: {  	s25 =	simm.s32 $0x4400;
	v5 =	vsel vm0, v6, v5  }
0x35: {  	s24 =	simm.s32 $0x8400;
	v6 =	vsel vm0, $0x3F800000, v3;
	[tilespmem:s25+$0x0] =	vst v5  }
0x36: {  	s26 =	simm.s32 $0x410;
	[tilespmem:s24+$0x0] =	vst v6  }
0x37: {  	v5 =	vld [tilespmem:s26+$0x0]  }
0x38: {  	s28 =	simm.s32 $0x7A260  }
.LBB2_6:
0x39: {  	p1 =	sne.s32 s28, $0x7A630;
	_ =	sdelay $0x2  }
0x3a: {  	vm0 =	vge.s32 v5, v1;
	vm1 =	vlt.s32 v5, v2  }
0x3b: {  	v6 =	vor.u32 s23, v4;
	s23 =	smov.u32 s28;
	v5 =	vsub.s32 v5, v0;
	vm0 =	vmand vm0, vm1  }
.Ltmp2:
0x3c: {  	s25 =	sadd.s32 $0x10, s25;
	v5 =	vsel vm0, v5, v6;
	v6 =	vsel vm0, $0x3F800000, v3;
	(pc) =	sbr.rel @p1 .LBB2_6-.Ltmp2, $4  }
0x3d: {  	s24 =	sadd.s32 $0x10, s24;
	[tilespmem:s25+$0x0] =	vst v5  }
0x3e: {  	s26 =	sadd.s32 $0x10, s26;
	[tilespmem:s24+$0x0] =	vst v6  }
0x3f: {  	v5 =	vld [tilespmem:s26+$0x0]  }
0x40: {  	s28 =	sadd.s32 $0x10, s28  }
0x41: {  	_ =	sdelay $0x2  }
0x42: {  	vm0 =	vge.s32 v5, v1;
	vm1 =	vlt.s32 v5, v2  }
0x43: {  	v6 =	vor.u32 s23, v4;
	v5 =	vsub.s32 v5, v0;
	vm0 =	vmand vm0, vm1  }
0x44: {  	s26 =	sadd.s32 $0x10, s25;
	v5 =	vsel vm0, v5, v6  }
0x45: {  	s24 =	sadd.s32 $0x10, s24;
	v6 =	vsel vm0, $0x3F800000, v3;
	[tilespmem:s26+$0x0] =	vst v5  }
0x46: {  	s25 =	simm.s32 $0x800;
	[tilespmem:s24+$0x0] =	vst v6  }
0x47: {  	v5 =	vld [tilespmem:s25+$0x0];
	_ =	sdelay $0x4  }
0x48: {  	s26 =	simm.s32 $0x7A240;
	vm14 =	vge.s32 v5, v1;
	vm15 =	vlt.s32 v5, v2  }
0x49: {  	v6 =	vsub.s32 v5, v0;
	v5 =	vor.u32 s26, v4;
	vm0 =	vmand vm14, vm15  }
0x4a: {  	s25 =	simm.s32 $0x4800;
	v6 =	vsel vm0, v6, v5  }
0x4b: {  	s24 =	simm.s32 $0x8800;
	v7 =	vsel vm0, $0x3F800000, v3;
	[tilespmem:s25+$0x0] =	vst v6  }
0x4c: {  	s28 =	simm.s32 $0x810;
	[tilespmem:s24+$0x0] =	vst v7  }
0x4d: {  	v6 =	vld [tilespmem:s28+$0x0]  }
0x4e: {  	s23 =	simm.s32 $0x7A250;
	s29 =	simm.s32 $0x7A260;
	s26 =	simm.s32 $0x7A250  }
.LBB2_8:
0x4f: {  	p1 =	sne.s32 s29, $0x7A630;
	_ =	sdelay $0x2  }
0x50: {  	vm0 =	vge.s32 v6, v1;
	vm1 =	vlt.s32 v6, v2  }
0x51: {  	v7 =	vor.u32 s26, v4;
	s26 =	smov.u32 s29;
	v6 =	vsub.s32 v6, v0;
	vm0 =	vmand vm0, vm1  }
.Ltmp3:
0x52: {  	s25 =	sadd.s32 $0x10, s25;
	v6 =	vsel vm0, v6, v7;
	v7 =	vsel vm0, $0x3F800000, v3;
	(pc) =	sbr.rel @p1 .LBB2_8-.Ltmp3, $4  }
0x53: {  	s24 =	sadd.s32 $0x10, s24;
	[tilespmem:s25+$0x0] =	vst v6  }
0x54: {  	s28 =	sadd.s32 $0x10, s28;
	[tilespmem:s24+$0x0] =	vst v7  }
0x55: {  	v6 =	vld [tilespmem:s28+$0x0]  }
0x56: {  	s29 =	sadd.s32 $0x10, s29  }
0x57: {  	_ =	sdelay $0x2  }
0x58: {  	vm0 =	vge.s32 v6, v1;
	vm1 =	vlt.s32 v6, v2  }
0x59: {  	v7 =	vor.u32 s26, v4;
	v6 =	vsub.s32 v6, v0;
	vm0 =	vmand vm0, vm1  }
0x5a: {  	s25 =	sadd.s32 $0x10, s25;
	v6 =	vsel vm0, v6, v7  }
0x5b: {  	s24 =	sadd.s32 $0x10, s24;
	v7 =	vsel vm0, $0x3F800000, v3;
	[tilespmem:s25+$0x0] =	vst v6  }
0x5c: {  	s29 =	simm.s32 $0xC00;
	[tilespmem:s24+$0x0] =	vst v7  }
0x5d: {  	v6 =	vld [tilespmem:s29+$0x0];
	_ =	sdelay $0x4  }
0x5e: {  	vm14 =	vge.s32 v6, v1;
	vm15 =	vlt.s32 v6, v2  }
0x5f: {  	v6 =	vsub.s32 v6, v0;
	vm0 =	vmand vm14, vm15  }
0x60: {  	s25 =	simm.s32 $0x4C00;
	v5 =	vsel vm0, v6, v5  }
0x61: {  	s24 =	simm.s32 $0x8C00;
	v6 =	vsel vm0, $0x3F800000, v3;
	[tilespmem:s25+$0x0] =	vst v5  }
0x62: {  	s26 =	simm.s32 $0xC10;
	[tilespmem:s24+$0x0] =	vst v6  }
0x63: {  	v5 =	vld [tilespmem:s26+$0x0]  }
0x64: {  	s28 =	simm.s32 $0x7A260  }
.LBB2_10:
0x65: {  	p1 =	sne.s32 s28, $0x7A630;
	_ =	sdelay $0x2  }
0x66: {  	vm0 =	vge.s32 v5, v1;
	vm1 =	vlt.s32 v5, v2  }
0x67: {  	v6 =	vor.u32 s23, v4;
	s23 =	smov.u32 s28;
	v5 =	vsub.s32 v5, v0;
	vm0 =	vmand vm0, vm1  }
.Ltmp4:
0x68: {  	s25 =	sadd.s32 $0x10, s25;
	v5 =	vsel vm0, v5, v6;
	v6 =	vsel vm0, $0x3F800000, v3;
	(pc) =	sbr.rel @p1 .LBB2_10-.Ltmp4, $4  }
0x69: {  	s24 =	sadd.s32 $0x10, s24;
	[tilespmem:s25+$0x0] =	vst v5  }
0x6a: {  	s26 =	sadd.s32 $0x10, s26;
	[tilespmem:s24+$0x0] =	vst v6  }
0x6b: {  	v5 =	vld [tilespmem:s26+$0x0]  }
0x6c: {  	s28 =	sadd.s32 $0x10, s28  }
0x6d: {  	_ =	sdelay $0x2  }
0x6e: {  	vm0 =	vge.s32 v5, v1;
	vm1 =	vlt.s32 v5, v2  }
0x6f: {  	v6 =	vor.u32 s23, v4;
	v5 =	vsub.s32 v5, v0;
	vm0 =	vmand vm0, vm1  }
0x70: {  	s26 =	sadd.s32 $0x10, s25;
	v5 =	vsel vm0, v5, v6  }
0x71: {  	s24 =	sadd.s32 $0x10, s24;
	v6 =	vsel vm0, $0x3F800000, v3;
	[tilespmem:s26+$0x0] =	vst v5  }
0x72: {  	s25 =	simm.s32 $0x1000;
	[tilespmem:s24+$0x0] =	vst v6  }
0x73: {  	v5 =	vld [tilespmem:s25+$0x0];
	_ =	sdelay $0x4  }
0x74: {  	s26 =	simm.s32 $0x7A240;
	vm14 =	vge.s32 v5, v1;
	vm15 =	vlt.s32 v5, v2  }
0x75: {  	v6 =	vsub.s32 v5, v0;
	v5 =	vor.u32 s26, v4;
	vm0 =	vmand vm14, vm15  }
0x76: {  	s25 =	simm.s32 $0x5000;
	v6 =	vsel vm0, v6, v5  }
0x77: {  	s24 =	simm.s32 $0x9000;
	v7 =	vsel vm0, $0x3F800000, v3;
	[tilespmem:s25+$0x0] =	vst v6  }
0x78: {  	s28 =	simm.s32 $0x1010;
	[tilespmem:s24+$0x0] =	vst v7  }
0x79: {  	v6 =	vld [tilespmem:s28+$0x0]  }
0x7a: {  	s23 =	simm.s32 $0x7A250;
	s29 =	simm.s32 $0x7A260;
	s26 =	simm.s32 $0x7A250  }
.LBB2_12:
0x7b: {  	p1 =	sne.s32 s29, $0x7A630;
	_ =	sdelay $0x2  }
0x7c: {  	vm0 =	vge.s32 v6, v1;
	vm1 =	vlt.s32 v6, v2  }
0x7d: {  	v7 =	vor.u32 s26, v4;
	s26 =	smov.u32 s29;
	v6 =	vsub.s32 v6, v0;
	vm0 =	vmand vm0, vm1  }
.Ltmp5:
0x7e: {  	s25 =	sadd.s32 $0x10, s25;
	v6 =	vsel vm0, v6, v7;
	v7 =	vsel vm0, $0x3F800000, v3;
	(pc) =	sbr.rel @p1 .LBB2_12-.Ltmp5, $4  }
0x7f: {  	s24 =	sadd.s32 $0x10, s24;
	[tilespmem:s25+$0x0] =	vst v6  }
0x80: {  	s28 =	sadd.s32 $0x10, s28;
	[tilespmem:s24+$0x0] =	vst v7  }
0x81: {  	v6 =	vld [tilespmem:s28+$0x0]  }
0x82: {  	s29 =	sadd.s32 $0x10, s29  }
0x83: {  	_ =	sdelay $0x2  }
0x84: {  	vm0 =	vge.s32 v6, v1;
	vm1 =	vlt.s32 v6, v2  }
0x85: {  	v7 =	vor.u32 s26, v4;
	v6 =	vsub.s32 v6, v0;
	vm0 =	vmand vm0, vm1  }
0x86: {  	s25 =	sadd.s32 $0x10, s25;
	v6 =	vsel vm0, v6, v7  }
0x87: {  	s24 =	sadd.s32 $0x10, s24;
	v7 =	vsel vm0, $0x3F800000, v3;
	[tilespmem:s25+$0x0] =	vst v6  }
0x88: {  	s29 =	simm.s32 $0x1400;
	[tilespmem:s24+$0x0] =	vst v7  }
0x89: {  	v6 =	vld [tilespmem:s29+$0x0];
	_ =	sdelay $0x4  }
0x8a: {  	vm14 =	vge.s32 v6, v1;
	vm15 =	vlt.s32 v6, v2  }
0x8b: {  	v6 =	vsub.s32 v6, v0;
	vm0 =	vmand vm14, vm15  }
0x8c: {  	s25 =	simm.s32 $0x5400;
	v5 =	vsel vm0, v6, v5  }
0x8d: {  	s24 =	simm.s32 $0x9400;
	v6 =	vsel vm0, $0x3F800000, v3;
	[tilespmem:s25+$0x0] =	vst v5  }
0x8e: {  	s26 =	simm.s32 $0x1410;
	[tilespmem:s24+$0x0] =	vst v6  }
0x8f: {  	v5 =	vld [tilespmem:s26+$0x0]  }
0x90: {  	s28 =	simm.s32 $0x7A260  }
.LBB2_14:
0x91: {  	p1 =	sne.s32 s28, $0x7A630;
	_ =	sdelay $0x2  }
0x92: {  	vm0 =	vge.s32 v5, v1;
	vm1 =	vlt.s32 v5, v2  }
0x93: {  	v6 =	vor.u32 s23, v4;
	s23 =	smov.u32 s28;
	v5 =	vsub.s32 v5, v0;
	vm0 =	vmand vm0, vm1  }
.Ltmp6:
0x94: {  	s25 =	sadd.s32 $0x10, s25;
	v5 =	vsel vm0, v5, v6;
	v6 =	vsel vm0, $0x3F800000, v3;
	(pc) =	sbr.rel @p1 .LBB2_14-.Ltmp6, $4  }
0x95: {  	s24 =	sadd.s32 $0x10, s24;
	[tilespmem:s25+$0x0] =	vst v5  }
0x96: {  	s26 =	sadd.s32 $0x10, s26;
	[tilespmem:s24+$0x0] =	vst v6  }
0x97: {  	v5 =	vld [tilespmem:s26+$0x0]  }
0x98: {  	s28 =	sadd.s32 $0x10, s28  }
0x99: {  	_ =	sdelay $0x2  }
0x9a: {  	vm0 =	vge.s32 v5, v1;
	vm1 =	vlt.s32 v5, v2  }
0x9b: {  	v6 =	vor.u32 s23, v4;
	v5 =	vsub.s32 v5, v0;
	vm0 =	vmand vm0, vm1  }
0x9c: {  	s26 =	sadd.s32 $0x10, s25;
	v5 =	vsel vm0, v5, v6  }
0x9d: {  	s24 =	sadd.s32 $0x10, s24;
	v6 =	vsel vm0, $0x3F800000, v3;
	[tilespmem:s26+$0x0] =	vst v5  }
0x9e: {  	s25 =	simm.s32 $0x1800;
	[tilespmem:s24+$0x0] =	vst v6  }
0x9f: {  	v5 =	vld [tilespmem:s25+$0x0];
	_ =	sdelay $0x4  }
0xa0: {  	s26 =	simm.s32 $0x7A240;
	vm14 =	vge.s32 v5, v1;
	vm15 =	vlt.s32 v5, v2  }
0xa1: {  	v6 =	vsub.s32 v5, v0;
	v5 =	vor.u32 s26, v4;
	vm0 =	vmand vm14, vm15  }
0xa2: {  	s25 =	simm.s32 $0x5800;
	v6 =	vsel vm0, v6, v5  }
0xa3: {  	s24 =	simm.s32 $0x9800;
	v7 =	vsel vm0, $0x3F800000, v3;
	[tilespmem:s25+$0x0] =	vst v6  }
0xa4: {  	s28 =	simm.s32 $0x1810;
	[tilespmem:s24+$0x0] =	vst v7  }
0xa5: {  	v6 =	vld [tilespmem:s28+$0x0]  }
0xa6: {  	s23 =	simm.s32 $0x7A250;
	s29 =	simm.s32 $0x7A260;
	s26 =	simm.s32 $0x7A250  }
.LBB2_16:
0xa7: {  	p1 =	sne.s32 s29, $0x7A630;
	_ =	sdelay $0x2  }
0xa8: {  	vm0 =	vge.s32 v6, v1;
	vm1 =	vlt.s32 v6, v2  }
0xa9: {  	v7 =	vor.u32 s26, v4;
	s26 =	smov.u32 s29;
	v6 =	vsub.s32 v6, v0;
	vm0 =	vmand vm0, vm1  }
.Ltmp7:
0xaa: {  	s25 =	sadd.s32 $0x10, s25;
	v6 =	vsel vm0, v6, v7;
	v7 =	vsel vm0, $0x3F800000, v3;
	(pc) =	sbr.rel @p1 .LBB2_16-.Ltmp7, $4  }
0xab: {  	s24 =	sadd.s32 $0x10, s24;
	[tilespmem:s25+$0x0] =	vst v6  }
0xac: {  	s28 =	sadd.s32 $0x10, s28;
	[tilespmem:s24+$0x0] =	vst v7  }
0xad: {  	v6 =	vld [tilespmem:s28+$0x0]  }
0xae: {  	s29 =	sadd.s32 $0x10, s29  }
0xaf: {  	_ =	sdelay $0x2  }
0xb0: {  	vm0 =	vge.s32 v6, v1;
	vm1 =	vlt.s32 v6, v2  }
0xb1: {  	v7 =	vor.u32 s26, v4;
	v6 =	vsub.s32 v6, v0;
	vm0 =	vmand vm0, vm1  }
0xb2: {  	s25 =	sadd.s32 $0x10, s25;
	v6 =	vsel vm0, v6, v7  }
0xb3: {  	s24 =	sadd.s32 $0x10, s24;
	v7 =	vsel vm0, $0x3F800000, v3;
	[tilespmem:s25+$0x0] =	vst v6  }
0xb4: {  	s29 =	simm.s32 $0x1C00;
	[tilespmem:s24+$0x0] =	vst v7  }
0xb5: {  	v6 =	vld [tilespmem:s29+$0x0];
	_ =	sdelay $0x4  }
0xb6: {  	vm14 =	vge.s32 v6, v1;
	vm15 =	vlt.s32 v6, v2  }
0xb7: {  	v6 =	vsub.s32 v6, v0;
	vm0 =	vmand vm14, vm15  }
0xb8: {  	s25 =	simm.s32 $0x5C00;
	v5 =	vsel vm0, v6, v5  }
0xb9: {  	s24 =	simm.s32 $0x9C00;
	v6 =	vsel vm0, $0x3F800000, v3;
	[tilespmem:s25+$0x0] =	vst v5  }
0xba: {  	s26 =	simm.s32 $0x1C10;
	[tilespmem:s24+$0x0] =	vst v6  }
0xbb: {  	v5 =	vld [tilespmem:s26+$0x0]  }
0xbc: {  	s28 =	simm.s32 $0x7A260  }
.LBB2_18:
0xbd: {  	p1 =	sne.s32 s28, $0x7A630;
	_ =	sdelay $0x2  }
0xbe: {  	vm0 =	vge.s32 v5, v1;
	vm1 =	vlt.s32 v5, v2  }
0xbf: {  	v6 =	vor.u32 s23, v4;
	s23 =	smov.u32 s28;
	v5 =	vsub.s32 v5, v0;
	vm0 =	vmand vm0, vm1  }
.Ltmp8:
0xc0: {  	s25 =	sadd.s32 $0x10, s25;
	v5 =	vsel vm0, v5, v6;
	v6 =	vsel vm0, $0x3F800000, v3;
	(pc) =	sbr.rel @p1 .LBB2_18-.Ltmp8, $4  }
0xc1: {  	s24 =	sadd.s32 $0x10, s24;
	[tilespmem:s25+$0x0] =	vst v5  }
0xc2: {  	s26 =	sadd.s32 $0x10, s26;
	[tilespmem:s24+$0x0] =	vst v6  }
0xc3: {  	v5 =	vld [tilespmem:s26+$0x0]  }
0xc4: {  	s28 =	sadd.s32 $0x10, s28  }
0xc5: {  	_ =	sdelay $0x2  }
0xc6: {  	vm0 =	vge.s32 v5, v1;
	vm1 =	vlt.s32 v5, v2  }
0xc7: {  	v6 =	vor.u32 s23, v4;
	v5 =	vsub.s32 v5, v0;
	vm0 =	vmand vm0, vm1  }
0xc8: {  	s26 =	sadd.s32 $0x10, s25;
	v5 =	vsel vm0, v5, v6  }
0xc9: {  	s24 =	sadd.s32 $0x10, s24;
	v6 =	vsel vm0, $0x3F800000, v3;
	[tilespmem:s26+$0x0] =	vst v5  }
0xca: {  	s25 =	simm.s32 $0x2000;
	[tilespmem:s24+$0x0] =	vst v6  }
0xcb: {  	v5 =	vld [tilespmem:s25+$0x0];
	_ =	sdelay $0x4  }
0xcc: {  	s26 =	simm.s32 $0x7A240;
	vm14 =	vge.s32 v5, v1;
	vm15 =	vlt.s32 v5, v2  }
0xcd: {  	v6 =	vsub.s32 v5, v0;
	v5 =	vor.u32 s26, v4;
	vm0 =	vmand vm14, vm15  }
0xce: {  	s25 =	simm.s32 $0x6000;
	v6 =	vsel vm0, v6, v5  }
0xcf: {  	s24 =	simm.s32 $0xA000;
	v7 =	vsel vm0, $0x3F800000, v3;
	[tilespmem:s25+$0x0] =	vst v6  }
0xd0: {  	s28 =	simm.s32 $0x2010;
	[tilespmem:s24+$0x0] =	vst v7  }
0xd1: {  	v6 =	vld [tilespmem:s28+$0x0]  }
0xd2: {  	s23 =	simm.s32 $0x7A250;
	s29 =	simm.s32 $0x7A260;
	s26 =	simm.s32 $0x7A250  }
.LBB2_20:
0xd3: {  	p1 =	sne.s32 s29, $0x7A630;
	_ =	sdelay $0x2  }
0xd4: {  	vm0 =	vge.s32 v6, v1;
	vm1 =	vlt.s32 v6, v2  }
0xd5: {  	v7 =	vor.u32 s26, v4;
	s26 =	smov.u32 s29;
	v6 =	vsub.s32 v6, v0;
	vm0 =	vmand vm0, vm1  }
.Ltmp9:
0xd6: {  	s25 =	sadd.s32 $0x10, s25;
	v6 =	vsel vm0, v6, v7;
	v7 =	vsel vm0, $0x3F800000, v3;
	(pc) =	sbr.rel @p1 .LBB2_20-.Ltmp9, $4  }
0xd7: {  	s24 =	sadd.s32 $0x10, s24;
	[tilespmem:s25+$0x0] =	vst v6  }
0xd8: {  	s28 =	sadd.s32 $0x10, s28;
	[tilespmem:s24+$0x0] =	vst v7  }
0xd9: {  	v6 =	vld [tilespmem:s28+$0x0]  }
0xda: {  	s29 =	sadd.s32 $0x10, s29  }
0xdb: {  	_ =	sdelay $0x2  }
0xdc: {  	vm0 =	vge.s32 v6, v1;
	vm1 =	vlt.s32 v6, v2  }
0xdd: {  	v7 =	vor.u32 s26, v4;
	v6 =	vsub.s32 v6, v0;
	vm0 =	vmand vm0, vm1  }
0xde: {  	s25 =	sadd.s32 $0x10, s25;
	v6 =	vsel vm0, v6, v7  }
0xdf: {  	s24 =	sadd.s32 $0x10, s24;
	v7 =	vsel vm0, $0x3F800000, v3;
	[tilespmem:s25+$0x0] =	vst v6  }
0xe0: {  	s29 =	simm.s32 $0x2400;
	[tilespmem:s24+$0x0] =	vst v7  }
0xe1: {  	v6 =	vld [tilespmem:s29+$0x0];
	_ =	sdelay $0x4  }
0xe2: {  	vm14 =	vge.s32 v6, v1;
	vm15 =	vlt.s32 v6, v2  }
0xe3: {  	v6 =	vsub.s32 v6, v0;
	vm0 =	vmand vm14, vm15  }
0xe4: {  	s25 =	simm.s32 $0x6400;
	v5 =	vsel vm0, v6, v5  }
0xe5: {  	s24 =	simm.s32 $0xA400;
	v6 =	vsel vm0, $0x3F800000, v3;
	[tilespmem:s25+$0x0] =	vst v5  }
0xe6: {  	s26 =	simm.s32 $0x2410;
	[tilespmem:s24+$0x0] =	vst v6  }
0xe7: {  	v5 =	vld [tilespmem:s26+$0x0]  }
0xe8: {  	s28 =	simm.s32 $0x7A260  }
.LBB2_22:
0xe9: {  	p1 =	sne.s32 s28, $0x7A630;
	_ =	sdelay $0x2  }
0xea: {  	vm0 =	vge.s32 v5, v1;
	vm1 =	vlt.s32 v5, v2  }
0xeb: {  	v6 =	vor.u32 s23, v4;
	s23 =	smov.u32 s28;
	v5 =	vsub.s32 v5, v0;
	vm0 =	vmand vm0, vm1  }
.Ltmp10:
0xec: {  	s25 =	sadd.s32 $0x10, s25;
	v5 =	vsel vm0, v5, v6;
	v6 =	vsel vm0, $0x3F800000, v3;
	(pc) =	sbr.rel @p1 .LBB2_22-.Ltmp10, $4  }
0xed: {  	s24 =	sadd.s32 $0x10, s24;
	[tilespmem:s25+$0x0] =	vst v5  }
0xee: {  	s26 =	sadd.s32 $0x10, s26;
	[tilespmem:s24+$0x0] =	vst v6  }
0xef: {  	v5 =	vld [tilespmem:s26+$0x0]  }
0xf0: {  	s28 =	sadd.s32 $0x10, s28  }
0xf1: {  	_ =	sdelay $0x2  }
0xf2: {  	vm0 =	vge.s32 v5, v1;
	vm1 =	vlt.s32 v5, v2  }
0xf3: {  	v6 =	vor.u32 s23, v4;
	v5 =	vsub.s32 v5, v0;
	vm0 =	vmand vm0, vm1  }
0xf4: {  	s26 =	sadd.s32 $0x10, s25;
	v5 =	vsel vm0, v5, v6  }
0xf5: {  	s24 =	sadd.s32 $0x10, s24;
	v6 =	vsel vm0, $0x3F800000, v3;
	[tilespmem:s26+$0x0] =	vst v5  }
0xf6: {  	s25 =	simm.s32 $0x2800;
	[tilespmem:s24+$0x0] =	vst v6  }
0xf7: {  	v5 =	vld [tilespmem:s25+$0x0];
	_ =	sdelay $0x4  }
0xf8: {  	s26 =	simm.s32 $0x7A240;
	vm14 =	vge.s32 v5, v1;
	vm15 =	vlt.s32 v5, v2  }
0xf9: {  	v6 =	vsub.s32 v5, v0;
	v5 =	vor.u32 s26, v4;
	vm0 =	vmand vm14, vm15  }
0xfa: {  	s25 =	simm.s32 $0x6800;
	v6 =	vsel vm0, v6, v5  }
0xfb: {  	s24 =	simm.s32 $0xA800;
	v7 =	vsel vm0, $0x3F800000, v3;
	[tilespmem:s25+$0x0] =	vst v6  }
0xfc: {  	s28 =	simm.s32 $0x2810;
	[tilespmem:s24+$0x0] =	vst v7  }
0xfd: {  	v6 =	vld [tilespmem:s28+$0x0]  }
0xfe: {  	s23 =	simm.s32 $0x7A250;
	s29 =	simm.s32 $0x7A260;
	s26 =	simm.s32 $0x7A250  }
.LBB2_24:
0xff: {  	p1 =	sne.s32 s29, $0x7A630;
	_ =	sdelay $0x2  }
0x100: {  	vm0 =	vge.s32 v6, v1;
	vm1 =	vlt.s32 v6, v2  }
0x101: {  	v7 =	vor.u32 s26, v4;
	s26 =	smov.u32 s29;
	v6 =	vsub.s32 v6, v0;
	vm0 =	vmand vm0, vm1  }
.Ltmp11:
0x102: {  	s25 =	sadd.s32 $0x10, s25;
	v6 =	vsel vm0, v6, v7;
	v7 =	vsel vm0, $0x3F800000, v3;
	(pc) =	sbr.rel @p1 .LBB2_24-.Ltmp11, $4  }
0x103: {  	s24 =	sadd.s32 $0x10, s24;
	[tilespmem:s25+$0x0] =	vst v6  }
0x104: {  	s28 =	sadd.s32 $0x10, s28;
	[tilespmem:s24+$0x0] =	vst v7  }
0x105: {  	v6 =	vld [tilespmem:s28+$0x0]  }
0x106: {  	s29 =	sadd.s32 $0x10, s29  }
0x107: {  	_ =	sdelay $0x2  }
0x108: {  	vm0 =	vge.s32 v6, v1;
	vm1 =	vlt.s32 v6, v2  }
0x109: {  	v7 =	vor.u32 s26, v4;
	v6 =	vsub.s32 v6, v0;
	vm0 =	vmand vm0, vm1  }
0x10a: {  	s25 =	sadd.s32 $0x10, s25;
	v6 =	vsel vm0, v6, v7  }
0x10b: {  	s24 =	sadd.s32 $0x10, s24;
	v7 =	vsel vm0, $0x3F800000, v3;
	[tilespmem:s25+$0x0] =	vst v6  }
0x10c: {  	s29 =	simm.s32 $0x2C00;
	[tilespmem:s24+$0x0] =	vst v7  }
0x10d: {  	v6 =	vld [tilespmem:s29+$0x0];
	_ =	sdelay $0x4  }
0x10e: {  	vm14 =	vge.s32 v6, v1;
	vm15 =	vlt.s32 v6, v2  }
0x10f: {  	v6 =	vsub.s32 v6, v0;
	vm0 =	vmand vm14, vm15  }
0x110: {  	s25 =	simm.s32 $0x6C00;
	v5 =	vsel vm0, v6, v5  }
0x111: {  	s24 =	simm.s32 $0xAC00;
	v6 =	vsel vm0, $0x3F800000, v3;
	[tilespmem:s25+$0x0] =	vst v5  }
0x112: {  	s26 =	simm.s32 $0x2C10;
	[tilespmem:s24+$0x0] =	vst v6  }
0x113: {  	v5 =	vld [tilespmem:s26+$0x0]  }
0x114: {  	s28 =	simm.s32 $0x7A260  }
.LBB2_26:
0x115: {  	p1 =	sne.s32 s28, $0x7A630;
	_ =	sdelay $0x2  }
0x116: {  	vm0 =	vge.s32 v5, v1;
	vm1 =	vlt.s32 v5, v2  }
0x117: {  	v6 =	vor.u32 s23, v4;
	s23 =	smov.u32 s28;
	v5 =	vsub.s32 v5, v0;
	vm0 =	vmand vm0, vm1  }
.Ltmp12:
0x118: {  	s25 =	sadd.s32 $0x10, s25;
	v5 =	vsel vm0, v5, v6;
	v6 =	vsel vm0, $0x3F800000, v3;
	(pc) =	sbr.rel @p1 .LBB2_26-.Ltmp12, $4  }
0x119: {  	s24 =	sadd.s32 $0x10, s24;
	[tilespmem:s25+$0x0] =	vst v5  }
0x11a: {  	s26 =	sadd.s32 $0x10, s26;
	[tilespmem:s24+$0x0] =	vst v6  }
0x11b: {  	v5 =	vld [tilespmem:s26+$0x0]  }
0x11c: {  	s28 =	sadd.s32 $0x10, s28  }
0x11d: {  	_ =	sdelay $0x2  }
0x11e: {  	vm0 =	vge.s32 v5, v1;
	vm1 =	vlt.s32 v5, v2  }
0x11f: {  	v6 =	vor.u32 s23, v4;
	v5 =	vsub.s32 v5, v0;
	vm0 =	vmand vm0, vm1  }
0x120: {  	s26 =	sadd.s32 $0x10, s25;
	v5 =	vsel vm0, v5, v6  }
0x121: {  	s24 =	sadd.s32 $0x10, s24;
	v6 =	vsel vm0, $0x3F800000, v3;
	[tilespmem:s26+$0x0] =	vst v5  }
0x122: {  	s25 =	simm.s32 $0x3000;
	[tilespmem:s24+$0x0] =	vst v6  }
0x123: {  	v5 =	vld [tilespmem:s25+$0x0];
	_ =	sdelay $0x4  }
0x124: {  	s26 =	simm.s32 $0x7A240;
	vm14 =	vge.s32 v5, v1;
	vm15 =	vlt.s32 v5, v2  }
0x125: {  	v6 =	vsub.s32 v5, v0;
	v5 =	vor.u32 s26, v4;
	vm0 =	vmand vm14, vm15  }
0x126: {  	s25 =	simm.s32 $0x7000;
	v6 =	vsel vm0, v6, v5  }
0x127: {  	s24 =	simm.s32 $0xB000;
	v7 =	vsel vm0, $0x3F800000, v3;
	[tilespmem:s25+$0x0] =	vst v6  }
0x128: {  	s28 =	simm.s32 $0x3010;
	[tilespmem:s24+$0x0] =	vst v7  }
0x129: {  	v6 =	vld [tilespmem:s28+$0x0]  }
0x12a: {  	s23 =	simm.s32 $0x7A250;
	s29 =	simm.s32 $0x7A260;
	s26 =	simm.s32 $0x7A250  }
.LBB2_28:
0x12b: {  	p1 =	sne.s32 s29, $0x7A630;
	_ =	sdelay $0x2  }
0x12c: {  	vm0 =	vge.s32 v6, v1;
	vm1 =	vlt.s32 v6, v2  }
0x12d: {  	v7 =	vor.u32 s26, v4;
	s26 =	smov.u32 s29;
	v6 =	vsub.s32 v6, v0;
	vm0 =	vmand vm0, vm1  }
.Ltmp13:
0x12e: {  	s25 =	sadd.s32 $0x10, s25;
	v6 =	vsel vm0, v6, v7;
	v7 =	vsel vm0, $0x3F800000, v3;
	(pc) =	sbr.rel @p1 .LBB2_28-.Ltmp13, $4  }
0x12f: {  	s24 =	sadd.s32 $0x10, s24;
	[tilespmem:s25+$0x0] =	vst v6  }
0x130: {  	s28 =	sadd.s32 $0x10, s28;
	[tilespmem:s24+$0x0] =	vst v7  }
0x131: {  	v6 =	vld [tilespmem:s28+$0x0]  }
0x132: {  	s29 =	sadd.s32 $0x10, s29  }
0x133: {  	_ =	sdelay $0x2  }
0x134: {  	vm0 =	vge.s32 v6, v1;
	vm1 =	vlt.s32 v6, v2  }
0x135: {  	v7 =	vor.u32 s26, v4;
	v6 =	vsub.s32 v6, v0;
	vm0 =	vmand vm0, vm1  }
0x136: {  	s25 =	sadd.s32 $0x10, s25;
	v6 =	vsel vm0, v6, v7  }
0x137: {  	s24 =	sadd.s32 $0x10, s24;
	v7 =	vsel vm0, $0x3F800000, v3;
	[tilespmem:s25+$0x0] =	vst v6  }
0x138: {  	s29 =	simm.s32 $0x3400;
	[tilespmem:s24+$0x0] =	vst v7  }
0x139: {  	v6 =	vld [tilespmem:s29+$0x0];
	_ =	sdelay $0x4  }
0x13a: {  	vm14 =	vge.s32 v6, v1;
	vm15 =	vlt.s32 v6, v2  }
0x13b: {  	v6 =	vsub.s32 v6, v0;
	vm0 =	vmand vm14, vm15  }
0x13c: {  	s25 =	simm.s32 $0x7400;
	v5 =	vsel vm0, v6, v5  }
0x13d: {  	s24 =	simm.s32 $0xB400;
	v6 =	vsel vm0, $0x3F800000, v3;
	[tilespmem:s25+$0x0] =	vst v5  }
0x13e: {  	s26 =	simm.s32 $0x3410;
	[tilespmem:s24+$0x0] =	vst v6  }
0x13f: {  	v5 =	vld [tilespmem:s26+$0x0]  }
0x140: {  	s28 =	simm.s32 $0x7A260  }
.LBB2_30:
0x141: {  	p1 =	sne.s32 s28, $0x7A630;
	_ =	sdelay $0x2  }
0x142: {  	vm0 =	vge.s32 v5, v1;
	vm1 =	vlt.s32 v5, v2  }
0x143: {  	v6 =	vor.u32 s23, v4;
	s23 =	smov.u32 s28;
	v5 =	vsub.s32 v5, v0;
	vm0 =	vmand vm0, vm1  }
.Ltmp14:
0x144: {  	s25 =	sadd.s32 $0x10, s25;
	v5 =	vsel vm0, v5, v6;
	v6 =	vsel vm0, $0x3F800000, v3;
	(pc) =	sbr.rel @p1 .LBB2_30-.Ltmp14, $4  }
0x145: {  	s24 =	sadd.s32 $0x10, s24;
	[tilespmem:s25+$0x0] =	vst v5  }
0x146: {  	s26 =	sadd.s32 $0x10, s26;
	[tilespmem:s24+$0x0] =	vst v6  }
0x147: {  	v5 =	vld [tilespmem:s26+$0x0]  }
0x148: {  	s28 =	sadd.s32 $0x10, s28  }
0x149: {  	_ =	sdelay $0x2  }
0x14a: {  	vm0 =	vge.s32 v5, v1;
	vm1 =	vlt.s32 v5, v2  }
0x14b: {  	v6 =	vor.u32 s23, v4;
	v5 =	vsub.s32 v5, v0;
	vm0 =	vmand vm0, vm1  }
0x14c: {  	s26 =	sadd.s32 $0x10, s25;
	v5 =	vsel vm0, v5, v6  }
0x14d: {  	s24 =	sadd.s32 $0x10, s24;
	v6 =	vsel vm0, $0x3F800000, v3;
	[tilespmem:s26+$0x0] =	vst v5  }
0x14e: {  	s25 =	simm.s32 $0x3800;
	[tilespmem:s24+$0x0] =	vst v6  }
0x14f: {  	v5 =	vld [tilespmem:s25+$0x0];
	_ =	sdelay $0x4  }
0x150: {  	s26 =	simm.s32 $0x7A240;
	vm14 =	vge.s32 v5, v1;
	vm15 =	vlt.s32 v5, v2  }
0x151: {  	v6 =	vsub.s32 v5, v0;
	v5 =	vor.u32 s26, v4;
	vm0 =	vmand vm14, vm15  }
0x152: {  	s25 =	simm.s32 $0x7800;
	v6 =	vsel vm0, v6, v5  }
0x153: {  	s24 =	simm.s32 $0xB800;
	v7 =	vsel vm0, $0x3F800000, v3;
	[tilespmem:s25+$0x0] =	vst v6  }
0x154: {  	s28 =	simm.s32 $0x3810;
	[tilespmem:s24+$0x0] =	vst v7  }
0x155: {  	v6 =	vld [tilespmem:s28+$0x0]  }
0x156: {  	s23 =	simm.s32 $0x7A250;
	s29 =	simm.s32 $0x7A260;
	s26 =	simm.s32 $0x7A250  }
.LBB2_32:
0x157: {  	p1 =	sne.s32 s29, $0x7A630;
	_ =	sdelay $0x2  }
0x158: {  	vm0 =	vge.s32 v6, v1;
	vm1 =	vlt.s32 v6, v2  }
0x159: {  	v7 =	vor.u32 s26, v4;
	s26 =	smov.u32 s29;
	v6 =	vsub.s32 v6, v0;
	vm0 =	vmand vm0, vm1  }
.Ltmp15:
0x15a: {  	s25 =	sadd.s32 $0x10, s25;
	v6 =	vsel vm0, v6, v7;
	v7 =	vsel vm0, $0x3F800000, v3;
	(pc) =	sbr.rel @p1 .LBB2_32-.Ltmp15, $4  }
0x15b: {  	s24 =	sadd.s32 $0x10, s24;
	[tilespmem:s25+$0x0] =	vst v6  }
0x15c: {  	s28 =	sadd.s32 $0x10, s28;
	[tilespmem:s24+$0x0] =	vst v7  }
0x15d: {  	v6 =	vld [tilespmem:s28+$0x0]  }
0x15e: {  	s29 =	sadd.s32 $0x10, s29  }
0x15f: {  	_ =	sdelay $0x2  }
0x160: {  	vm0 =	vge.s32 v6, v1;
	vm1 =	vlt.s32 v6, v2  }
0x161: {  	v7 =	vor.u32 s26, v4;
	v6 =	vsub.s32 v6, v0;
	vm0 =	vmand vm0, vm1  }
0x162: {  	s25 =	sadd.s32 $0x10, s25;
	v6 =	vsel vm0, v6, v7  }
0x163: {  	s24 =	sadd.s32 $0x10, s24;
	v7 =	vsel vm0, $0x3F800000, v3;
	[tilespmem:s25+$0x0] =	vst v6  }
0x164: {  	s29 =	simm.s32 $0x3C00;
	[tilespmem:s24+$0x0] =	vst v7  }
0x165: {  	v6 =	vld [tilespmem:s29+$0x0];
	_ =	sdelay $0x4  }
0x166: {  	vm14 =	vge.s32 v6, v1;
	vm15 =	vlt.s32 v6, v2  }
0x167: {  	v6 =	vsub.s32 v6, v0;
	vm0 =	vmand vm14, vm15  }
0x168: {  	s25 =	simm.s32 $0x7C00;
	v5 =	vsel vm0, v6, v5  }
0x169: {  	s24 =	simm.s32 $0xBC00;
	v6 =	vsel vm0, $0x3F800000, v3;
	[tilespmem:s25+$0x0] =	vst v5  }
0x16a: {  	s26 =	simm.s32 $0x3C10;
	[tilespmem:s24+$0x0] =	vst v6  }
0x16b: {  	v5 =	vld [tilespmem:s26+$0x0]  }
0x16c: {  	s28 =	simm.s32 $0x7A260  }
.LBB2_34:
0x16d: {  	p1 =	sne.s32 s28, $0x7A630;
	_ =	sdelay $0x2  }
0x16e: {  	vm0 =	vge.s32 v5, v1;
	vm1 =	vlt.s32 v5, v2  }
0x16f: {  	v6 =	vor.u32 s23, v4;
	s23 =	smov.u32 s28;
	v5 =	vsub.s32 v5, v0;
	vm0 =	vmand vm0, vm1  }
.Ltmp16:
0x170: {  	s25 =	sadd.s32 $0x10, s25;
	v5 =	vsel vm0, v5, v6;
	v6 =	vsel vm0, $0x3F800000, v3;
	(pc) =	sbr.rel @p1 .LBB2_34-.Ltmp16, $4  }
0x171: {  	s24 =	sadd.s32 $0x10, s24;
	[tilespmem:s25+$0x0] =	vst v5  }
0x172: {  	s26 =	sadd.s32 $0x10, s26;
	[tilespmem:s24+$0x0] =	vst v6  }
0x173: {  	v5 =	vld [tilespmem:s26+$0x0]  }
0x174: {  	s28 =	sadd.s32 $0x10, s28  }
0x175: {  	_ =	sdelay $0x2  }
0x176: {  	vm0 =	vge.s32 v5, v1;
	vm1 =	vlt.s32 v5, v2  }
0x177: {  	v6 =	vor.u32 s23, v4;
	v5 =	vsub.s32 v5, v0;
	vm0 =	vmand vm0, vm1  }
0x178: {  	s28 =	sadd.s32 $0x10, s25;
	v5 =	vsel vm0, v5, v6  }
0x179: {  	s29 =	sadd.s32 $0x10, s24;
	v6 =	vsel vm0, $0x3F800000, v3;
	[tilespmem:s28+$0x0] =	vst v5  }
0x17a: {  	s24 =	simm.s32 $0xC000;
	[tilespmem:s29+$0x0] =	vst v6  }
0x17b: {  	[spmem:s5] =	stream.linear.scatter [tilespmem:s24], [sflag:$0x1], $0x7AB0, $0x38;
	[tilespmem:$0x1B730] =	vst v63  }
0x17c: {  	_ =	swait.ge [sflag:s10], $0x7AB0  }
0x17d: {  	[sflag:s10] =	ssyncset.done $0x0  }
0x17e: {  	[sflag:s10] =	ssyncadd.s32 $0xFFFF8550  }
0x17f: {  	s25 =	simm.s32 $0x4000;
	s26 =	simm.s32 $0x8000;
	[bflag:$0x0] =	sbarrier.arrive $0xFFFF  }
0x180: {  	[spmem:s3] =	stream.indirect.scatter.add.f32 [tilespmem:s26], [sflag:$0x1], $0x1, s25, s12, $0xb8;
	[tilespmem:$0x1B730] =	vst v63  }
0x181: {  	_ =	swait.ge [sflag:s10], $0x400  }
0x182: {  	[sflag:s10] =	ssyncset.done $0x0  }
0x183: {  	s28 =	simm.s32 $0x4400;
	s29 =	simm.s32 $0x8400;
	[sflag:s10] =	ssyncadd.s32 $0xFFFFFC00  }
0x184: {  	[spmem:s3] =	stream.indirect.scatter.add.f32 [tilespmem:s29], [sflag:$0x1], $0x1, s28, s12, $0xb8;
	[tilespmem:$0x1B730] =	vst v63  }
0x185: {  	_ =	swait.ge [sflag:s10], $0x400  }
0x186: {  	[sflag:s10] =	ssyncset.done $0x0  }
0x187: {  	s25 =	simm.s32 $0x4800;
	s26 =	simm.s32 $0x8800;
	[sflag:s10] =	ssyncadd.s32 $0xFFFFFC00  }
0x188: {  	[spmem:s3] =	stream.indirect.scatter.add.f32 [tilespmem:s26], [sflag:$0x1], $0x1, s25, s12, $0xb8;
	[tilespmem:$0x1B730] =	vst v63  }
0x189: {  	_ =	swait.ge [sflag:s10], $0x400  }
0x18a: {  	[sflag:s10] =	ssyncset.done $0x0  }
0x18b: {  	s28 =	simm.s32 $0x4C00;
	s29 =	simm.s32 $0x8C00;
	[sflag:s10] =	ssyncadd.s32 $0xFFFFFC00  }
0x18c: {  	[spmem:s3] =	stream.indirect.scatter.add.f32 [tilespmem:s29], [sflag:$0x1], $0x1, s28, s12, $0xb8;
	[tilespmem:$0x1B730] =	vst v63  }
0x18d: {  	_ =	swait.ge [sflag:s10], $0x400  }
0x18e: {  	[sflag:s10] =	ssyncset.done $0x0  }
0x18f: {  	s25 =	simm.s32 $0x5000;
	s26 =	simm.s32 $0x9000;
	[sflag:s10] =	ssyncadd.s32 $0xFFFFFC00  }
0x190: {  	[spmem:s3] =	stream.indirect.scatter.add.f32 [tilespmem:s26], [sflag:$0x1], $0x1, s25, s12, $0xb8;
	[tilespmem:$0x1B730] =	vst v63  }
0x191: {  	_ =	swait.ge [sflag:s10], $0x400  }
0x192: {  	[sflag:s10] =	ssyncset.done $0x0  }
0x193: {  	s28 =	simm.s32 $0x5400;
	s29 =	simm.s32 $0x9400;
	[sflag:s10] =	ssyncadd.s32 $0xFFFFFC00  }
0x194: {  	[spmem:s3] =	stream.indirect.scatter.add.f32 [tilespmem:s29], [sflag:$0x1], $0x1, s28, s12, $0xb8;
	[tilespmem:$0x1B730] =	vst v63  }
0x195: {  	_ =	swait.ge [sflag:s10], $0x400  }
0x196: {  	[sflag:s10] =	ssyncset.done $0x0  }
0x197: {  	s25 =	simm.s32 $0x5800;
	s26 =	simm.s32 $0x9800;
	[sflag:s10] =	ssyncadd.s32 $0xFFFFFC00  }
0x198: {  	[spmem:s3] =	stream.indirect.scatter.add.f32 [tilespmem:s26], [sflag:$0x1], $0x1, s25, s12, $0xb8;
	[tilespmem:$0x1B730] =	vst v63  }
0x199: {  	_ =	swait.ge [sflag:s10], $0x400  }
0x19a: {  	[sflag:s10] =	ssyncset.done $0x0  }
0x19b: {  	s28 =	simm.s32 $0x5C00;
	s29 =	simm.s32 $0x9C00;
	[sflag:s10] =	ssyncadd.s32 $0xFFFFFC00  }
0x19c: {  	[spmem:s3] =	stream.indirect.scatter.add.f32 [tilespmem:s29], [sflag:$0x1], $0x1, s28, s12, $0xb8;
	[tilespmem:$0x1B730] =	vst v63  }
0x19d: {  	_ =	swait.ge [sflag:s10], $0x400  }
0x19e: {  	[sflag:s10] =	ssyncset.done $0x0  }
0x19f: {  	[sflag:s10] =	ssyncadd.s32 $0xFFFFFC00  }
0x1a0: {  	[spmem:s3] =	stream.indirect.scatter.add.f32 [tilespmem:s31], [sflag:$0x1], $0x1, s30, s12, $0xb8;
	[tilespmem:$0x1B730] =	vst v63  }
0x1a1: {  	_ =	swait.ge [sflag:s10], $0x400  }
0x1a2: {  	[sflag:s10] =	ssyncset.done $0x0  }
0x1a3: {  	[sflag:s10] =	ssyncadd.s32 $0xFFFFFC00  }
0x1a4: {  	[spmem:s3] =	stream.indirect.scatter.add.f32 [tilespmem:s0], [sflag:$0x1], $0x1, s2, s12, $0xb8;
	[tilespmem:$0x1B730] =	vst v63  }
0x1a5: {  	_ =	swait.ge [sflag:s10], $0x400  }
0x1a6: {  	[sflag:s10] =	ssyncset.done $0x0  }
0x1a7: {  	[sflag:s10] =	ssyncadd.s32 $0xFFFFFC00  }
0x1a8: {  	[spmem:s3] =	stream.indirect.scatter.add.f32 [tilespmem:s11], [sflag:$0x1], $0x1, s1, s12, $0xb8;
	[tilespmem:$0x1B730] =	vst v63  }
0x1a9: {  	_ =	swait.ge [sflag:s10], $0x400  }
0x1aa: {  	[sflag:s10] =	ssyncset.done $0x0  }
0x1ab: {  	[sflag:s10] =	ssyncadd.s32 $0xFFFFFC00  }
0x1ac: {  	[spmem:s3] =	stream.indirect.scatter.add.f32 [tilespmem:s14], [sflag:$0x1], $0x1, s13, s12, $0xb8;
	[tilespmem:$0x1B730] =	vst v63  }
0x1ad: {  	_ =	swait.ge [sflag:s10], $0x400  }
0x1ae: {  	[sflag:s10] =	ssyncset.done $0x0  }
0x1af: {  	[sflag:s10] =	ssyncadd.s32 $0xFFFFFC00  }
0x1b0: {  	[spmem:s3] =	stream.indirect.scatter.add.f32 [tilespmem:s16], [sflag:$0x1], $0x1, s15, s12, $0xb8;
	[tilespmem:$0x1B730] =	vst v63  }
0x1b1: {  	_ =	swait.ge [sflag:s10], $0x400  }
0x1b2: {  	[sflag:s10] =	ssyncset.done $0x0  }
0x1b3: {  	[sflag:s10] =	ssyncadd.s32 $0xFFFFFC00  }
0x1b4: {  	[spmem:s3] =	stream.indirect.scatter.add.f32 [tilespmem:s18], [sflag:$0x1], $0x1, s17, s12, $0xb8;
	[tilespmem:$0x1B730] =	vst v63  }
0x1b5: {  	_ =	swait.ge [sflag:s10], $0x400  }
0x1b6: {  	[sflag:s10] =	ssyncset.done $0x0  }
0x1b7: {  	[sflag:s10] =	ssyncadd.s32 $0xFFFFFC00  }
0x1b8: {  	[spmem:s3] =	stream.indirect.scatter.add.f32 [tilespmem:s20], [sflag:$0x1], $0x1, s19, s12, $0xb8;
	[tilespmem:$0x1B730] =	vst v63  }
0x1b9: {  	_ =	swait.ge [sflag:s10], $0x400  }
0x1ba: {  	[sflag:s10] =	ssyncset.done $0x0  }
0x1bb: {  	[sflag:s10] =	ssyncadd.s32 $0xFFFFFC00  }
0x1bc: {  	[spmem:s3] =	stream.indirect.scatter.add.f32 [tilespmem:s22], [sflag:$0x1], $0x1, s21, s12, $0xb8;
	[tilespmem:$0x1B730] =	vst v63  }
0x1bd: {  	_ =	swait.ge [sflag:s10], $0x400  }
0x1be: {  	[sflag:s10] =	ssyncset.done $0x0  }
0x1bf: {  	[sflag:s10] =	ssyncadd.s32 $0xFFFFFC00  }
0x1c0: {  	s23 =	simm.s32 @p0 $0xC000;
	s24 =	simm.s32 @p0 $0x1;
	[bflag:$0x0] =	sbarrier.arrive $0xFFFF  }
0x1c1: {  	[tilespmem:s23], [sflag:$0x1] =	stream.linear.gather @p0 [spmem:s6], $0x7C40, $0x38;
	[tilespmem:$0x1B730] =	vst v63  }
0x1c2: {  	_ =	swait.ge @p0 [sflag:s24], $0x7C40  }
0x1c3: {  	[sflag:s24] =	ssyncset.done @p0 $0x0  }
0x1c4: {  	s25 =	simm.s32 @p0 $0x0;
	[sflag:s24] =	ssyncadd.s32 @p0 $0xFFFF83C0  }
0x1c5: {  	[hbm4b:s8+s25] =	stream.linear.scatter @p0 [tilespmem:s23], [sflag:$0x1], $0x7C40, $0x38;
	[tilespmem:$0x1B730] =	vst v63  }
0x1c6: {  	_ =	swait.ge @p0 [sflag:s24], $0x7C40  }
0x1c7: {  	[sflag:s24] =	ssyncset.done @p0 $0x0  }
0x1c8: {  	s23 =	simm.s32 @!p0 $0xC000;
	[sflag:s24] =	ssyncadd.s32 @p0 $0xFFFF83C0;
	s24 =	simm.s32 @!p0 $0x1  }
0x1c9: {  	[tilespmem:s23], [sflag:$0x1] =	stream.linear.gather @!p0 [spmem:s6], $0x7A00, $0x38;
	[tilespmem:$0x1B730] =	vst v63  }
0x1ca: {  	s4 =	sadd.s32 $0x1, s4;
	_ =	swait.ge @!p0 [sflag:s24], $0x7A00  }
0x1cb: {  	p1 =	sne.s32 s4, s9;
	[sflag:s24] =	ssyncset.done @!p0 $0x0  }
.Ltmp17:
0x1cc: {  	s25 =	simm.s32 @!p0 $0x0;
	[sflag:s24] =	ssyncadd.s32 @!p0 $0xFFFF8600;
	(pc) =	sbr.rel @p1 .LBB2_1-.Ltmp17, $4  }
0x1cd: {  	[hbm4b:s7+s25] =	stream.linear.scatter @!p0 [tilespmem:s23], [sflag:$0x1], $0x7A00, $0x38;
	[tilespmem:$0x1B730] =	vst v63  }
0x1ce: {  	_ =	swait.ge @!p0 [sflag:s24], $0x7A00  }
0x1cf: {  	[sflag:s24] =	ssyncset.done @!p0 $0x0  }
0x1d0: {  	[sflag:s24] =	ssyncadd.s32 @!p0 $0xFFFF8600  }
0x1d1: {  	_ =	sfence.sel $0x180000  }
0x1d2: {  	[bflag:$0x0] =	sbarrier.arrive $0xFFFF  }
0x1d3: {  	_ =	strace $0x90000047  }
0x1d4: {  	s0 =	stileid.u32;
	[bflag:$0x2] =	sbarrier.arrive $0xFFFF  }
0x1d5: {  	p0 =	sne.s32 s0, $0x0;
	s0 =	rddreg [dreg:$0x3]  }
0x1d6: {  	s0 =	sadd.s32 @!p0 $0x100000, s0  }
0x1d7: {  	[sflag:s0] =	ssyncadd.tile.s32 @!p0 $0x1;
	_ =	shalt  }
.Lfunc_end2:
_tile_overlayer_lowered:
.L_overlay_start_2:
0x1d8: {  	(tag) =	ssettag $0x2  }
0x1d9: {  	s0 =	rddreg [dreg:$0x0];
	s2 =	stileid.u32  }
0x1da: {  	s1 =	rddreg [dreg:$0x1];
	p0 =	sne.s32 s2, $0x0  }
0x1db: {  	s3 =	rddreg [dreg:$0x2];
	[bflag:$0x3] =	sbarrier.arrive $0xFFFF;
	s2 =	simm.s32 @!p0 $0x1C01  }
0x1dc: {  	[timem:s3], [sflag:s2] =	dma.local @!p0 [hbm:s0], s1  }
0x1dd: {  	s0 =	simm.s32 @!p0 $0x1  }
0x1de: {  	_ =	swait.ge @!p0 [sflag:s0], s1  }
0x1df: {  	s1 =	ssub.s32 @!p0 $0x0, s1;
	[sflag:s0] =	ssyncset.done @!p0 $0x0  }
0x1e0: {  	[sflag:s0] =	ssyncadd.s32 @!p0 s1  }
0x1e1: {  	[bflag:$0x3] =	sbarrier.arrive $0xFFFF  }
0x1e2: {  	_ =	shalt  }

</sc_bundles>
